<compile_context>
chip_gen: v7x
topology: tpu7x:2x2x1
jax: 0.10.2.dev20260603
libtpu: 0.0.44.dev20260713+nightly
codegen_flags: <defaults>
</compile_context>

<pallas_src>
import functools

import jax
import jax.numpy as jnp
from jax import lax
from jax.experimental import pallas as pl
from jax.experimental.pallas import tpu as pltpu
from jax.experimental.pallas import tpu_sc as plsc

NUM_EXPERTS = 8
TOP_K = 2
D_MODEL = 1024
HIDDEN = 2048
TOKENS = 8192

BLK = 256
FLAT = TOKENS * TOP_K
NT = FLAT // BLK + NUM_EXPERTS
PTOT = NT * BLK

NC, NS = 2, 16
NW = NC * NS
TPW = TOKENS // NW
CHUNK = 64
IW = D_MODEL // 2 // 128


def _dispatch_body(xb, i0, i1, out, rows_v, idx0_v, idx1_v, sem):
    wid = lax.axis_index("s") * NC + lax.axis_index("c")
    base = wid * TPW
    for it in range(TPW // CHUNK):
        tok = base + it * CHUNK
        pltpu.sync_copy(xb.at[pl.ds(tok, CHUNK)], rows_v)
        pltpu.sync_copy(i0.at[pl.ds(tok, CHUNK)], idx0_v)
        pltpu.sync_copy(i1.at[pl.ds(tok, CHUNK)], idx1_v)
        pltpu.async_copy(rows_v, out.at[idx0_v], sem).wait()
        pltpu.async_copy(rows_v, out.at[idx1_v], sem).wait()


_dispatch = functools.partial(
    pl.kernel,
    mesh=plsc.VectorSubcoreMesh(core_axis_name="c", subcore_axis_name="s"),
    out_type=jax.ShapeDtypeStruct((PTOT, IW, 128), jnp.int32),
    scratch_types=[
        pltpu.VMEM((CHUNK, IW, 128), jnp.int32),
        pltpu.VMEM((CHUNK,), jnp.int32),
        pltpu.VMEM((CHUNK,), jnp.int32),
        pltpu.SemaphoreType.DMA,
    ],
)(_dispatch_body)


def _mlp_body(e_ref, xg_ref, w1_ref, b1_ref, w2_ref, b2_ref, o_ref):
    xb = xg_ref[...]
    w1 = w1_ref[0]
    h = lax.dot_general(xb, w1, (((1,), (1,)), ((), ())),
                        preferred_element_type=jnp.float32)
    h = jax.nn.relu(h + b1_ref[0])
    w2 = w2_ref[0]
    o = lax.dot_general(h.astype(jnp.bfloat16), w2, (((1,), (1,)), ((), ())),
                        preferred_element_type=jnp.float32)
    o_ref[...] = jax.nn.sigmoid(o + b2_ref[0])


def _grouped_mlp(tile_expert, xg, W1, b1, W2, b2):
    grid_spec = pltpu.PrefetchScalarGridSpec(
        num_scalar_prefetch=1,
        grid=(NT,),
        in_specs=[
            pl.BlockSpec((BLK, D_MODEL), lambda i, e: (i, 0)),
            pl.BlockSpec((1, HIDDEN, D_MODEL), lambda i, e: (e[i], 0, 0)),
            pl.BlockSpec((1, 1, HIDDEN), lambda i, e: (e[i], 0, 0)),
            pl.BlockSpec((1, D_MODEL, HIDDEN), lambda i, e: (e[i], 0, 0)),
            pl.BlockSpec((1, 1, D_MODEL), lambda i, e: (e[i], 0, 0)),
        ],
        out_specs=pl.BlockSpec((BLK, D_MODEL), lambda i, e: (i, 0)),
    )
    return pl.pallas_call(
        _mlp_body,
        grid_spec=grid_spec,
        out_shape=jax.ShapeDtypeStruct((PTOT, D_MODEL), jnp.float32),
    )(tile_expert, xg, W1, b1.reshape(NUM_EXPERTS, 1, HIDDEN), W2,
      b2.reshape(NUM_EXPERTS, 1, D_MODEL))


def kernel(x, Wr, br, W1, b1, W2, b2):
    T = TOKENS
    logits = x @ Wr.T + br
    top_v, top_i = lax.top_k(logits, TOP_K)
    top_w = jax.nn.softmax(top_v, axis=-1)

    e_flat = top_i.reshape(-1).astype(jnp.int32)
    onehot = (e_flat[:, None] == jnp.arange(NUM_EXPERTS, dtype=jnp.int32)[None, :]
              ).astype(jnp.int32)
    incl = jnp.cumsum(onehot, axis=0)
    counts = incl[-1]
    rank = jnp.take_along_axis(incl - onehot, e_flat[:, None], axis=1)[:, 0]
    padded = ((counts + BLK - 1) // BLK) * BLK
    offs = jnp.concatenate([jnp.zeros((1,), jnp.int32),
                            jnp.cumsum(padded)[:-1].astype(jnp.int32)])
    slot = offs[e_flat] + rank
    inv = slot.reshape(T, TOP_K)
    idx0 = inv[:, 0].astype(jnp.int32)
    idx1 = inv[:, 1].astype(jnp.int32)

    cum_end = jnp.cumsum(padded)
    tile_start = jnp.arange(NT, dtype=jnp.int32) * BLK
    tile_expert = jnp.sum(
        (tile_start[:, None] >= cum_end[None, :]).astype(jnp.int32), axis=1)
    tile_expert = jnp.minimum(tile_expert, NUM_EXPERTS - 1).astype(jnp.int32)

    xb3 = lax.bitcast_convert_type(
        x.astype(jnp.bfloat16).reshape(T, D_MODEL // 2, 2), jnp.int32
    ).reshape(T, IW, 128)
    xg = lax.bitcast_convert_type(
        _dispatch(xb3, idx0, idx1).reshape(PTOT, D_MODEL // 2),
        jnp.bfloat16).reshape(PTOT, D_MODEL)
    o_buf = _grouped_mlp(tile_expert, xg, W1.astype(jnp.bfloat16), b1,
                         W2.astype(jnp.bfloat16), b2)
    out = (top_w[:, 0:1] * jnp.take(o_buf, idx0, axis=0)
           + top_w[:, 1:2] * jnp.take(o_buf, idx1, axis=0))
    return out

# --- scband reference (transcript-rebuilt; emitter-appended) ---
"""Pipeline reference for scband-mo-eblock-85392539779143 (READ-ONLY COPY).

The authoritative reference and input builder live on the scoring server;
editing this copy changes nothing except your own understanding.
"""

import jax, jax.numpy as jnp
import numpy as np

NUM_EXPERTS = 8
TOP_K = 2
D_MODEL = 1024
HIDDEN = 2048
TOKENS = 8192


def setup_inputs(seed: int = 0) -> dict:
    key = jax.random.key(seed)
    ks = jax.random.split(key, 8)
    x = jax.random.normal(ks[0], (TOKENS, D_MODEL), dtype=jnp.float32)
    # router: Linear(D_MODEL -> NUM_EXPERTS)
    Wr = jax.random.normal(ks[1], (NUM_EXPERTS, D_MODEL), dtype=jnp.float32) * (1.0 / np.sqrt(D_MODEL))
    br = jnp.zeros((NUM_EXPERTS,), dtype=jnp.float32)
    # experts: stacked Linear(D->H) then Linear(H->D)
    W1 = jax.random.normal(ks[2], (NUM_EXPERTS, HIDDEN, D_MODEL), dtype=jnp.float32) * (1.0 / np.sqrt(D_MODEL))
    b1 = jnp.zeros((NUM_EXPERTS, HIDDEN), dtype=jnp.float32)
    W2 = jax.random.normal(ks[3], (NUM_EXPERTS, D_MODEL, HIDDEN), dtype=jnp.float32) * (1.0 / np.sqrt(HIDDEN))
    b2 = jnp.zeros((NUM_EXPERTS, D_MODEL), dtype=jnp.float32)
    return {"x": x, "Wr": Wr, "br": br, "W1": W1, "b1": b1, "W2": W2, "b2": b2}


def reference(x, Wr, br, W1, b1, W2, b2):
    T = x.shape[0]
    # router logits
    logits = x @ Wr.T + br
    topk_vals, topk_idx = jax.lax.top_k(logits, TOP_K)
    topk_weights = jax.nn.softmax(topk_vals, axis=-1)
    # dense gate matrix [T, E]: accumulate weights at selected experts (equivalent to
    # the per-k one-hot masked accumulation in the torch loop)
    gates = jnp.zeros((T, NUM_EXPERTS), dtype=jnp.float32)
    gates = gates.at[jnp.arange(T)[:, None], topk_idx].add(topk_weights)
    # expert MLP applied (masked-dense form): sigmoid(W2 @ relu(W1 @ x + b1) + b2)
    h = jnp.einsum('td,ehd->teh', x, W1) + b1[None, :, :]
    h = jax.nn.relu(h)
    o = jnp.einsum('teh,edh->ted', h, W2) + b2[None, :, :]
    o = jax.nn.sigmoid(o)
    out = jnp.einsum('te,ted->td', gates, o)
    return out

if __name__ == "__main__":
    import jax
    _d = setup_inputs()
    print(jax.jit(kernel)(*tuple(_d.values())))

</pallas_src>

<mosaic_0001>
#map = affine_map<(d0, d1) -> (0, 0, 0)>
#map1 = affine_map<(d0, d1) -> (0)>
module attributes {stable_mosaic.version = 14 : i64} {
  func.func @_dispatch_body(%arg0: i32, %arg1: i32, %arg2: memref<8192x4x128xi32, #tpu.memory_space<hbm>>, %arg3: memref<8192xi32, #tpu.memory_space<hbm>>, %arg4: memref<8192xi32, #tpu.memory_space<hbm>>, %arg5: memref<18432x4x128xi32, #tpu.memory_space<hbm>>, %arg6: memref<64x4x128xi32, #tpu.memory_space<vmem>>, %arg7: memref<64xi32, #tpu.memory_space<vmem>>, %arg8: memref<64xi32, #tpu.memory_space<vmem>>, %arg9: memref<!tpu.dma_semaphore, #tpu.memory_space<semaphore_mem>>) attributes {dimension_semantics = [#tpu.dimension_semantics<core_parallel>, #tpu.dimension_semantics<subcore_parallel>], iteration_bounds = array<i64: 2, 16>, scalar_prefetch = 0 : i64, scratch_operands = 4 : i64, tpu.core_type = #tpu.core_type<sc_vector_subcore>, window_params = [{transform_indices = #map}, {transform_indices = #map1}, {transform_indices = #map1}, {transform_indices = #map}]} {
    %mul3A = arith.constant 2 : i32
    %mul3A_0 = arith.muli %arg1, %mul3A : i32
    %add3A = arith.addi %mul3A_0, %arg0 : i32
    %mul3A_1 = arith.constant 256 : i32
    %mul3A_2 = arith.muli %add3A, %mul3A_1 : i32
    %add3A_3 = arith.constant 0 : i32
    %add3A_4 = arith.addi %mul3A_2, %add3A_3 : i32
    "tpu.region"() ({
      %run_scoped3A = tpu.sem_alloc : memref<!tpu.dma_semaphore, #tpu.memory_space<semaphore_mem>>
      %dma_start3A_73 = arith.constant 0 : i32
      %dma_start3A_74 = arith.constant 0 : i32
      %dma_start3A_75 = tpu.memref_slice %arg2[%add3A_4, %dma_start3A_73, %dma_start3A_74] : memref<8192x4x128xi32, #tpu.memory_space<hbm>> -> memref<64x4x128xi32, #tpu.memory_space<hbm>>
      %dma_start3A_76 = arith.constant 0 : i32
      %dma_start3A_77 = arith.constant 0 : i32
      %dma_start3A_78 = tpu.memref_slice %arg2[%add3A_4, %dma_start3A_76, %dma_start3A_77] : memref<8192x4x128xi32, #tpu.memory_space<hbm>> -> memref<64x4x128xi32, #tpu.memory_space<hbm>>
      tpu.enqueue_dma source(%dma_start3A_78 : memref<64x4x128xi32, #tpu.memory_space<hbm>>) target(%arg6 : memref<64x4x128xi32, #tpu.memory_space<vmem>>) target_semaphore(%run_scoped3A : memref<!tpu.dma_semaphore, #tpu.memory_space<semaphore_mem>>)
      %dma_wait3A_79 = arith.constant 0 : i32
      %dma_wait3A_80 = arith.constant 0 : i32
      %dma_wait3A_81 = tpu.memref_slice %arg2[%add3A_4, %dma_wait3A_79, %dma_wait3A_80] : memref<8192x4x128xi32, #tpu.memory_space<hbm>> -> memref<64x4x128xi32, #tpu.memory_space<hbm>>
      %dma_wait3A_82 = arith.constant 0 : i32
      %dma_wait3A_83 = arith.constant 0 : i32
      %dma_wait3A_84 = tpu.memref_slice %arg2[%add3A_4, %dma_wait3A_82, %dma_wait3A_83] : memref<8192x4x128xi32, #tpu.memory_space<hbm>> -> memref<64x4x128xi32, #tpu.memory_space<hbm>>
      tpu.wait_dma2 semaphore(%run_scoped3A : memref<!tpu.dma_semaphore, #tpu.memory_space<semaphore_mem>>) src(%dma_wait3A_84 : memref<64x4x128xi32, #tpu.memory_space<hbm>>) dst(%arg6 : memref<64x4x128xi32, #tpu.memory_space<vmem>>)
      tpu.yield
    }) : () -> ()
    "tpu.region"() ({
      %run_scoped3A = tpu.sem_alloc : memref<!tpu.dma_semaphore, #tpu.memory_space<semaphore_mem>>
      %dma_start3A_73 = tpu.memref_slice %arg3[%add3A_4] : memref<8192xi32, #tpu.memory_space<hbm>> -> memref<64xi32, #tpu.memory_space<hbm>>
      %dma_start3A_74 = tpu.memref_slice %arg3[%add3A_4] : memref<8192xi32, #tpu.memory_space<hbm>> -> memref<64xi32, #tpu.memory_space<hbm>>
      tpu.enqueue_dma source(%dma_start3A_74 : memref<64xi32, #tpu.memory_space<hbm>>) target(%arg7 : memref<64xi32, #tpu.memory_space<vmem>>) target_semaphore(%run_scoped3A : memref<!tpu.dma_semaphore, #tpu.memory_space<semaphore_mem>>)
      %dma_wait3A_75 = tpu.memref_slice %arg3[%add3A_4] : memref<8192xi32, #tpu.memory_space<hbm>> -> memref<64xi32, #tpu.memory_space<hbm>>
      %dma_wait3A_76 = tpu.memref_slice %arg3[%add3A_4] : memref<8192xi32, #tpu.memory_space<hbm>> -> memref<64xi32, #tpu.memory_space<hbm>>
      tpu.wait_dma2 semaphore(%run_scoped3A : memref<!tpu.dma_semaphore, #tpu.memory_space<semaphore_mem>>) src(%dma_wait3A_76 : memref<64xi32, #tpu.memory_space<hbm>>) dst(%arg7 : memref<64xi32, #tpu.memory_space<vmem>>)
      tpu.yield
    }) : () -> ()
    "tpu.region"() ({
      %run_scoped3A = tpu.sem_alloc : memref<!tpu.dma_semaphore, #tpu.memory_space<semaphore_mem>>
      %dma_start3A_73 = tpu.memref_slice %arg4[%add3A_4] : memref<8192xi32, #tpu.memory_space<hbm>> -> memref<64xi32, #tpu.memory_space<hbm>>
      %dma_start3A_74 = tpu.memref_slice %arg4[%add3A_4] : memref<8192xi32, #tpu.memory_space<hbm>> -> memref<64xi32, #tpu.memory_space<hbm>>
      tpu.enqueue_dma source(%dma_start3A_74 : memref<64xi32, #tpu.memory_space<hbm>>) target(%arg8 : memref<64xi32, #tpu.memory_space<vmem>>) target_semaphore(%run_scoped3A : memref<!tpu.dma_semaphore, #tpu.memory_space<semaphore_mem>>)
      %dma_wait3A_75 = tpu.memref_slice %arg4[%add3A_4] : memref<8192xi32, #tpu.memory_space<hbm>> -> memref<64xi32, #tpu.memory_space<hbm>>
      %dma_wait3A_76 = tpu.memref_slice %arg4[%add3A_4] : memref<8192xi32, #tpu.memory_space<hbm>> -> memref<64xi32, #tpu.memory_space<hbm>>
      tpu.wait_dma2 semaphore(%run_scoped3A : memref<!tpu.dma_semaphore, #tpu.memory_space<semaphore_mem>>) src(%dma_wait3A_76 : memref<64xi32, #tpu.memory_space<hbm>>) dst(%arg8 : memref<64xi32, #tpu.memory_space<vmem>>)
      tpu.yield
    }) : () -> ()
    %dma_start3A = arith.constant 0 : i32
    %dma_start3A_5 = arith.constant 0 : i32
    %dma_start3A_6 = arith.constant 0 : i32
    %dma_start3A_7 = tpu.memref_slice %arg5[%dma_start3A, %dma_start3A_5, %dma_start3A_6] : memref<18432x4x128xi32, #tpu.memory_space<hbm>> -> memref<18432x4x128xi32, #tpu.memory_space<hbm>>
    tpu.enqueue_indirect_dma source(%arg6 : memref<64x4x128xi32, #tpu.memory_space<vmem>>) target(%dma_start3A_7 : memref<18432x4x128xi32, #tpu.memory_space<hbm>>) offsets(%arg7 : memref<64xi32, #tpu.memory_space<vmem>>) semaphore(%arg9 : memref<!tpu.dma_semaphore, #tpu.memory_space<semaphore_mem>>)
    %dma_wait3A = arith.constant 0 : i32
    %dma_wait3A_8 = arith.constant 0 : i32
    %dma_wait3A_9 = arith.constant 0 : i32
    %dma_wait3A_10 = tpu.memref_slice %arg5[%dma_wait3A, %dma_wait3A_8, %dma_wait3A_9] : memref<18432x4x128xi32, #tpu.memory_space<hbm>> -> memref<18432x4x128xi32, #tpu.memory_space<hbm>>
    tpu.wait_indirect_dma semaphore(%arg9 : memref<!tpu.dma_semaphore, #tpu.memory_space<semaphore_mem>>) src(%arg6 : memref<64x4x128xi32, #tpu.memory_space<vmem>>) dst(%dma_wait3A_10 : memref<18432x4x128xi32, #tpu.memory_space<hbm>>)
    %dma_start3A_11 = arith.constant 0 : i32
    %dma_start3A_12 = arith.constant 0 : i32
    %dma_start3A_13 = arith.constant 0 : i32
    %dma_start3A_14 = tpu.memref_slice %arg5[%dma_start3A_11, %dma_start3A_12, %dma_start3A_13] : memref<18432x4x128xi32, #tpu.memory_space<hbm>> -> memref<18432x4x128xi32, #tpu.memory_space<hbm>>
    tpu.enqueue_indirect_dma source(%arg6 : memref<64x4x128xi32, #tpu.memory_space<vmem>>) target(%dma_start3A_14 : memref<18432x4x128xi32, #tpu.memory_space<hbm>>) offsets(%arg8 : memref<64xi32, #tpu.memory_space<vmem>>) semaphore(%arg9 : memref<!tpu.dma_semaphore, #tpu.memory_space<semaphore_mem>>)
    %dma_wait3A_15 = arith.constant 0 : i32
    %dma_wait3A_16 = arith.constant 0 : i32
    %dma_wait3A_17 = arith.constant 0 : i32
    %dma_wait3A_18 = tpu.memref_slice %arg5[%dma_wait3A_15, %dma_wait3A_16, %dma_wait3A_17] : memref<18432x4x128xi32, #tpu.memory_space<hbm>> -> memref<18432x4x128xi32, #tpu.memory_space<hbm>>
    tpu.wait_indirect_dma semaphore(%arg9 : memref<!tpu.dma_semaphore, #tpu.memory_space<semaphore_mem>>) src(%arg6 : memref<64x4x128xi32, #tpu.memory_space<vmem>>) dst(%dma_wait3A_18 : memref<18432x4x128xi32, #tpu.memory_space<hbm>>)
    %add3A_19 = arith.constant 64 : i32
    %add3A_20 = arith.addi %mul3A_2, %add3A_19 : i32
    "tpu.region"() ({
      %run_scoped3A = tpu.sem_alloc : memref<!tpu.dma_semaphore, #tpu.memory_space<semaphore_mem>>
      %dma_start3A_73 = arith.constant 0 : i32
      %dma_start3A_74 = arith.constant 0 : i32
      %dma_start3A_75 = tpu.memref_slice %arg2[%add3A_20, %dma_start3A_73, %dma_start3A_74] : memref<8192x4x128xi32, #tpu.memory_space<hbm>> -> memref<64x4x128xi32, #tpu.memory_space<hbm>>
      %dma_start3A_76 = arith.constant 0 : i32
      %dma_start3A_77 = arith.constant 0 : i32
      %dma_start3A_78 = tpu.memref_slice %arg2[%add3A_20, %dma_start3A_76, %dma_start3A_77] : memref<8192x4x128xi32, #tpu.memory_space<hbm>> -> memref<64x4x128xi32, #tpu.memory_space<hbm>>
      tpu.enqueue_dma source(%dma_start3A_78 : memref<64x4x128xi32, #tpu.memory_space<hbm>>) target(%arg6 : memref<64x4x128xi32, #tpu.memory_space<vmem>>) target_semaphore(%run_scoped3A : memref<!tpu.dma_semaphore, #tpu.memory_space<semaphore_mem>>)
      %dma_wait3A_79 = arith.constant 0 : i32
      %dma_wait3A_80 = arith.constant 0 : i32
      %dma_wait3A_81 = tpu.memref_slice %arg2[%add3A_20, %dma_wait3A_79, %dma_wait3A_80] : memref<8192x4x128xi32, #tpu.memory_space<hbm>> -> memref<64x4x128xi32, #tpu.memory_space<hbm>>
      %dma_wait3A_82 = arith.constant 0 : i32
      %dma_wait3A_83 = arith.constant 0 : i32
      %dma_wait3A_84 = tpu.memref_slice %arg2[%add3A_20, %dma_wait3A_82, %dma_wait3A_83] : memref<8192x4x128xi32, #tpu.memory_space<hbm>> -> memref<64x4x128xi32, #tpu.memory_space<hbm>>
      tpu.wait_dma2 semaphore(%run_scoped3A : memref<!tpu.dma_semaphore, #tpu.memory_space<semaphore_mem>>) src(%dma_wait3A_84 : memref<64x4x128xi32, #tpu.memory_space<hbm>>) dst(%arg6 : memref<64x4x128xi32, #tpu.memory_space<vmem>>)
      tpu.yield
    }) : () -> ()
    "tpu.region"() ({
      %run_scoped3A = tpu.sem_alloc : memref<!tpu.dma_semaphore, #tpu.memory_space<semaphore_mem>>
      %dma_start3A_73 = tpu.memref_slice %arg3[%add3A_20] : memref<8192xi32, #tpu.memory_space<hbm>> -> memref<64xi32, #tpu.memory_space<hbm>>
      %dma_start3A_74 = tpu.memref_slice %arg3[%add3A_20] : memref<8192xi32, #tpu.memory_space<hbm>> -> memref<64xi32, #tpu.memory_space<hbm>>
      tpu.enqueue_dma source(%dma_start3A_74 : memref<64xi32, #tpu.memory_space<hbm>>) target(%arg7 : memref<64xi32, #tpu.memory_space<vmem>>) target_semaphore(%run_scoped3A : memref<!tpu.dma_semaphore, #tpu.memory_space<semaphore_mem>>)
      %dma_wait3A_75 = tpu.memref_slice %arg3[%add3A_20] : memref<8192xi32, #tpu.memory_space<hbm>> -> memref<64xi32, #tpu.memory_space<hbm>>
      %dma_wait3A_76 = tpu.memref_slice %arg3[%add3A_20] : memref<8192xi32, #tpu.memory_space<hbm>> -> memref<64xi32, #tpu.memory_space<hbm>>
      tpu.wait_dma2 semaphore(%run_scoped3A : memref<!tpu.dma_semaphore, #tpu.memory_space<semaphore_mem>>) src(%dma_wait3A_76 : memref<64xi32, #tpu.memory_space<hbm>>) dst(%arg7 : memref<64xi32, #tpu.memory_space<vmem>>)
      tpu.yield
    }) : () -> ()
    "tpu.region"() ({
      %run_scoped3A = tpu.sem_alloc : memref<!tpu.dma_semaphore, #tpu.memory_space<semaphore_mem>>
      %dma_start3A_73 = tpu.memref_slice %arg4[%add3A_20] : memref<8192xi32, #tpu.memory_space<hbm>> -> memref<64xi32, #tpu.memory_space<hbm>>
      %dma_start3A_74 = tpu.memref_slice %arg4[%add3A_20] : memref<8192xi32, #tpu.memory_space<hbm>> -> memref<64xi32, #tpu.memory_space<hbm>>
      tpu.enqueue_dma source(%dma_start3A_74 : memref<64xi32, #tpu.memory_space<hbm>>) target(%arg8 : memref<64xi32, #tpu.memory_space<vmem>>) target_semaphore(%run_scoped3A : memref<!tpu.dma_semaphore, #tpu.memory_space<semaphore_mem>>)
      %dma_wait3A_75 = tpu.memref_slice %arg4[%add3A_20] : memref<8192xi32, #tpu.memory_space<hbm>> -> memref<64xi32, #tpu.memory_space<hbm>>
      %dma_wait3A_76 = tpu.memref_slice %arg4[%add3A_20] : memref<8192xi32, #tpu.memory_space<hbm>> -> memref<64xi32, #tpu.memory_space<hbm>>
      tpu.wait_dma2 semaphore(%run_scoped3A : memref<!tpu.dma_semaphore, #tpu.memory_space<semaphore_mem>>) src(%dma_wait3A_76 : memref<64xi32, #tpu.memory_space<hbm>>) dst(%arg8 : memref<64xi32, #tpu.memory_space<vmem>>)
      tpu.yield
    }) : () -> ()
    %dma_start3A_21 = arith.constant 0 : i32
    %dma_start3A_22 = arith.constant 0 : i32
    %dma_start3A_23 = arith.constant 0 : i32
    %dma_start3A_24 = tpu.memref_slice %arg5[%dma_start3A_21, %dma_start3A_22, %dma_start3A_23] : memref<18432x4x128xi32, #tpu.memory_space<hbm>> -> memref<18432x4x128xi32, #tpu.memory_space<hbm>>
    tpu.enqueue_indirect_dma source(%arg6 : memref<64x4x128xi32, #tpu.memory_space<vmem>>) target(%dma_start3A_24 : memref<18432x4x128xi32, #tpu.memory_space<hbm>>) offsets(%arg7 : memref<64xi32, #tpu.memory_space<vmem>>) semaphore(%arg9 : memref<!tpu.dma_semaphore, #tpu.memory_space<semaphore_mem>>)
    %dma_wait3A_25 = arith.constant 0 : i32
    %dma_wait3A_26 = arith.constant 0 : i32
    %dma_wait3A_27 = arith.constant 0 : i32
    %dma_wait3A_28 = tpu.memref_slice %arg5[%dma_wait3A_25, %dma_wait3A_26, %dma_wait3A_27] : memref<18432x4x128xi32, #tpu.memory_space<hbm>> -> memref<18432x4x128xi32, #tpu.memory_space<hbm>>
    tpu.wait_indirect_dma semaphore(%arg9 : memref<!tpu.dma_semaphore, #tpu.memory_space<semaphore_mem>>) src(%arg6 : memref<64x4x128xi32, #tpu.memory_space<vmem>>) dst(%dma_wait3A_28 : memref<18432x4x128xi32, #tpu.memory_space<hbm>>)
    %dma_start3A_29 = arith.constant 0 : i32
    %dma_start3A_30 = arith.constant 0 : i32
    %dma_start3A_31 = arith.constant 0 : i32
    %dma_start3A_32 = tpu.memref_slice %arg5[%dma_start3A_29, %dma_start3A_30, %dma_start3A_31] : memref<18432x4x128xi32, #tpu.memory_space<hbm>> -> memref<18432x4x128xi32, #tpu.memory_space<hbm>>
    tpu.enqueue_indirect_dma source(%arg6 : memref<64x4x128xi32, #tpu.memory_space<vmem>>) target(%dma_start3A_32 : memref<18432x4x128xi32, #tpu.memory_space<hbm>>) offsets(%arg8 : memref<64xi32, #tpu.memory_space<vmem>>) semaphore(%arg9 : memref<!tpu.dma_semaphore, #tpu.memory_space<semaphore_mem>>)
    %dma_wait3A_33 = arith.constant 0 : i32
    %dma_wait3A_34 = arith.constant 0 : i32
    %dma_wait3A_35 = arith.constant 0 : i32
    %dma_wait3A_36 = tpu.memref_slice %arg5[%dma_wait3A_33, %dma_wait3A_34, %dma_wait3A_35] : memref<18432x4x128xi32, #tpu.memory_space<hbm>> -> memref<18432x4x128xi32, #tpu.memory_space<hbm>>
    tpu.wait_indirect_dma semaphore(%arg9 : memref<!tpu.dma_semaphore, #tpu.memory_space<semaphore_mem>>) src(%arg6 : memref<64x4x128xi32, #tpu.memory_space<vmem>>) dst(%dma_wait3A_36 : memref<18432x4x128xi32, #tpu.memory_space<hbm>>)
    %add3A_37 = arith.constant 128 : i32
    %add3A_38 = arith.addi %mul3A_2, %add3A_37 : i32
    "tpu.region"() ({
      %run_scoped3A = tpu.sem_alloc : memref<!tpu.dma_semaphore, #tpu.memory_space<semaphore_mem>>
      %dma_start3A_73 = arith.constant 0 : i32
      %dma_start3A_74 = arith.constant 0 : i32
      %dma_start3A_75 = tpu.memref_slice %arg2[%add3A_38, %dma_start3A_73, %dma_start3A_74] : memref<8192x4x128xi32, #tpu.memory_space<hbm>> -> memref<64x4x128xi32, #tpu.memory_space<hbm>>
      %dma_start3A_76 = arith.constant 0 : i32
      %dma_start3A_77 = arith.constant 0 : i32
      %dma_start3A_78 = tpu.memref_slice %arg2[%add3A_38, %dma_start3A_76, %dma_start3A_77] : memref<8192x4x128xi32, #tpu.memory_space<hbm>> -> memref<64x4x128xi32, #tpu.memory_space<hbm>>
      tpu.enqueue_dma source(%dma_start3A_78 : memref<64x4x128xi32, #tpu.memory_space<hbm>>) target(%arg6 : memref<64x4x128xi32, #tpu.memory_space<vmem>>) target_semaphore(%run_scoped3A : memref<!tpu.dma_semaphore, #tpu.memory_space<semaphore_mem>>)
      %dma_wait3A_79 = arith.constant 0 : i32
      %dma_wait3A_80 = arith.constant 0 : i32
      %dma_wait3A_81 = tpu.memref_slice %arg2[%add3A_38, %dma_wait3A_79, %dma_wait3A_80] : memref<8192x4x128xi32, #tpu.memory_space<hbm>> -> memref<64x4x128xi32, #tpu.memory_space<hbm>>
      %dma_wait3A_82 = arith.constant 0 : i32
      %dma_wait3A_83 = arith.constant 0 : i32
      %dma_wait3A_84 = tpu.memref_slice %arg2[%add3A_38, %dma_wait3A_82, %dma_wait3A_83] : memref<8192x4x128xi32, #tpu.memory_space<hbm>> -> memref<64x4x128xi32, #tpu.memory_space<hbm>>
      tpu.wait_dma2 semaphore(%run_scoped3A : memref<!tpu.dma_semaphore, #tpu.memory_space<semaphore_mem>>) src(%dma_wait3A_84 : memref<64x4x128xi32, #tpu.memory_space<hbm>>) dst(%arg6 : memref<64x4x128xi32, #tpu.memory_space<vmem>>)
      tpu.yield
    }) : () -> ()
    "tpu.region"() ({
      %run_scoped3A = tpu.sem_alloc : memref<!tpu.dma_semaphore, #tpu.memory_space<semaphore_mem>>
      %dma_start3A_73 = tpu.memref_slice %arg3[%add3A_38] : memref<8192xi32, #tpu.memory_space<hbm>> -> memref<64xi32, #tpu.memory_space<hbm>>
      %dma_start3A_74 = tpu.memref_slice %arg3[%add3A_38] : memref<8192xi32, #tpu.memory_space<hbm>> -> memref<64xi32, #tpu.memory_space<hbm>>
      tpu.enqueue_dma source(%dma_start3A_74 : memref<64xi32, #tpu.memory_space<hbm>>) target(%arg7 : memref<64xi32, #tpu.memory_space<vmem>>) target_semaphore(%run_scoped3A : memref<!tpu.dma_semaphore, #tpu.memory_space<semaphore_mem>>)
      %dma_wait3A_75 = tpu.memref_slice %arg3[%add3A_38] : memref<8192xi32, #tpu.memory_space<hbm>> -> memref<64xi32, #tpu.memory_space<hbm>>
      %dma_wait3A_76 = tpu.memref_slice %arg3[%add3A_38] : memref<8192xi32, #tpu.memory_space<hbm>> -> memref<64xi32, #tpu.memory_space<hbm>>
      tpu.wait_dma2 semaphore(%run_scoped3A : memref<!tpu.dma_semaphore, #tpu.memory_space<semaphore_mem>>) src(%dma_wait3A_76 : memref<64xi32, #tpu.memory_space<hbm>>) dst(%arg7 : memref<64xi32, #tpu.memory_space<vmem>>)
      tpu.yield
    }) : () -> ()
    "tpu.region"() ({
      %run_scoped3A = tpu.sem_alloc : memref<!tpu.dma_semaphore, #tpu.memory_space<semaphore_mem>>
      %dma_start3A_73 = tpu.memref_slice %arg4[%add3A_38] : memref<8192xi32, #tpu.memory_space<hbm>> -> memref<64xi32, #tpu.memory_space<hbm>>
      %dma_start3A_74 = tpu.memref_slice %arg4[%add3A_38] : memref<8192xi32, #tpu.memory_space<hbm>> -> memref<64xi32, #tpu.memory_space<hbm>>
      tpu.enqueue_dma source(%dma_start3A_74 : memref<64xi32, #tpu.memory_space<hbm>>) target(%arg8 : memref<64xi32, #tpu.memory_space<vmem>>) target_semaphore(%run_scoped3A : memref<!tpu.dma_semaphore, #tpu.memory_space<semaphore_mem>>)
      %dma_wait3A_75 = tpu.memref_slice %arg4[%add3A_38] : memref<8192xi32, #tpu.memory_space<hbm>> -> memref<64xi32, #tpu.memory_space<hbm>>
      %dma_wait3A_76 = tpu.memref_slice %arg4[%add3A_38] : memref<8192xi32, #tpu.memory_space<hbm>> -> memref<64xi32, #tpu.memory_space<hbm>>
      tpu.wait_dma2 semaphore(%run_scoped3A : memref<!tpu.dma_semaphore, #tpu.memory_space<semaphore_mem>>) src(%dma_wait3A_76 : memref<64xi32, #tpu.memory_space<hbm>>) dst(%arg8 : memref<64xi32, #tpu.memory_space<vmem>>)
      tpu.yield
    }) : () -> ()
    %dma_start3A_39 = arith.constant 0 : i32
    %dma_start3A_40 = arith.constant 0 : i32
    %dma_start3A_41 = arith.constant 0 : i32
    %dma_start3A_42 = tpu.memref_slice %arg5[%dma_start3A_39, %dma_start3A_40, %dma_start3A_41] : memref<18432x4x128xi32, #tpu.memory_space<hbm>> -> memref<18432x4x128xi32, #tpu.memory_space<hbm>>
    tpu.enqueue_indirect_dma source(%arg6 : memref<64x4x128xi32, #tpu.memory_space<vmem>>) target(%dma_start3A_42 : memref<18432x4x128xi32, #tpu.memory_space<hbm>>) offsets(%arg7 : memref<64xi32, #tpu.memory_space<vmem>>) semaphore(%arg9 : memref<!tpu.dma_semaphore, #tpu.memory_space<semaphore_mem>>)
    %dma_wait3A_43 = arith.constant 0 : i32
    %dma_wait3A_44 = arith.constant 0 : i32
    %dma_wait3A_45 = arith.constant 0 : i32
    %dma_wait3A_46 = tpu.memref_slice %arg5[%dma_wait3A_43, %dma_wait3A_44, %dma_wait3A_45] : memref<18432x4x128xi32, #tpu.memory_space<hbm>> -> memref<18432x4x128xi32, #tpu.memory_space<hbm>>
    tpu.wait_indirect_dma semaphore(%arg9 : memref<!tpu.dma_semaphore, #tpu.memory_space<semaphore_mem>>) src(%arg6 : memref<64x4x128xi32, #tpu.memory_space<vmem>>) dst(%dma_wait3A_46 : memref<18432x4x128xi32, #tpu.memory_space<hbm>>)
    %dma_start3A_47 = arith.constant 0 : i32
    %dma_start3A_48 = arith.constant 0 : i32
    %dma_start3A_49 = arith.constant 0 : i32
    %dma_start3A_50 = tpu.memref_slice %arg5[%dma_start3A_47, %dma_start3A_48, %dma_start3A_49] : memref<18432x4x128xi32, #tpu.memory_space<hbm>> -> memref<18432x4x128xi32, #tpu.memory_space<hbm>>
    tpu.enqueue_indirect_dma source(%arg6 : memref<64x4x128xi32, #tpu.memory_space<vmem>>) target(%dma_start3A_50 : memref<18432x4x128xi32, #tpu.memory_space<hbm>>) offsets(%arg8 : memref<64xi32, #tpu.memory_space<vmem>>) semaphore(%arg9 : memref<!tpu.dma_semaphore, #tpu.memory_space<semaphore_mem>>)
    %dma_wait3A_51 = arith.constant 0 : i32
    %dma_wait3A_52 = arith.constant 0 : i32
    %dma_wait3A_53 = arith.constant 0 : i32
    %dma_wait3A_54 = tpu.memref_slice %arg5[%dma_wait3A_51, %dma_wait3A_52, %dma_wait3A_53] : memref<18432x4x128xi32, #tpu.memory_space<hbm>> -> memref<18432x4x128xi32, #tpu.memory_space<hbm>>
    tpu.wait_indirect_dma semaphore(%arg9 : memref<!tpu.dma_semaphore, #tpu.memory_space<semaphore_mem>>) src(%arg6 : memref<64x4x128xi32, #tpu.memory_space<vmem>>) dst(%dma_wait3A_54 : memref<18432x4x128xi32, #tpu.memory_space<hbm>>)
    %add3A_55 = arith.constant 192 : i32
    %add3A_56 = arith.addi %mul3A_2, %add3A_55 : i32
    "tpu.region"() ({
      %run_scoped3A = tpu.sem_alloc : memref<!tpu.dma_semaphore, #tpu.memory_space<semaphore_mem>>
      %dma_start3A_73 = arith.constant 0 : i32
      %dma_start3A_74 = arith.constant 0 : i32
      %dma_start3A_75 = tpu.memref_slice %arg2[%add3A_56, %dma_start3A_73, %dma_start3A_74] : memref<8192x4x128xi32, #tpu.memory_space<hbm>> -> memref<64x4x128xi32, #tpu.memory_space<hbm>>
      %dma_start3A_76 = arith.constant 0 : i32
      %dma_start3A_77 = arith.constant 0 : i32
      %dma_start3A_78 = tpu.memref_slice %arg2[%add3A_56, %dma_start3A_76, %dma_start3A_77] : memref<8192x4x128xi32, #tpu.memory_space<hbm>> -> memref<64x4x128xi32, #tpu.memory_space<hbm>>
      tpu.enqueue_dma source(%dma_start3A_78 : memref<64x4x128xi32, #tpu.memory_space<hbm>>) target(%arg6 : memref<64x4x128xi32, #tpu.memory_space<vmem>>) target_semaphore(%run_scoped3A : memref<!tpu.dma_semaphore, #tpu.memory_space<semaphore_mem>>)
      %dma_wait3A_79 = arith.constant 0 : i32
      %dma_wait3A_80 = arith.constant 0 : i32
      %dma_wait3A_81 = tpu.memref_slice %arg2[%add3A_56, %dma_wait3A_79, %dma_wait3A_80] : memref<8192x4x128xi32, #tpu.memory_space<hbm>> -> memref<64x4x128xi32, #tpu.memory_space<hbm>>
      %dma_wait3A_82 = arith.constant 0 : i32
      %dma_wait3A_83 = arith.constant 0 : i32
      %dma_wait3A_84 = tpu.memref_slice %arg2[%add3A_56, %dma_wait3A_82, %dma_wait3A_83] : memref<8192x4x128xi32, #tpu.memory_space<hbm>> -> memref<64x4x128xi32, #tpu.memory_space<hbm>>
      tpu.wait_dma2 semaphore(%run_scoped3A : memref<!tpu.dma_semaphore, #tpu.memory_space<semaphore_mem>>) src(%dma_wait3A_84 : memref<64x4x128xi32, #tpu.memory_space<hbm>>) dst(%arg6 : memref<64x4x128xi32, #tpu.memory_space<vmem>>)
      tpu.yield
    }) : () -> ()
    "tpu.region"() ({
      %run_scoped3A = tpu.sem_alloc : memref<!tpu.dma_semaphore, #tpu.memory_space<semaphore_mem>>
      %dma_start3A_73 = tpu.memref_slice %arg3[%add3A_56] : memref<8192xi32, #tpu.memory_space<hbm>> -> memref<64xi32, #tpu.memory_space<hbm>>
      %dma_start3A_74 = tpu.memref_slice %arg3[%add3A_56] : memref<8192xi32, #tpu.memory_space<hbm>> -> memref<64xi32, #tpu.memory_space<hbm>>
      tpu.enqueue_dma source(%dma_start3A_74 : memref<64xi32, #tpu.memory_space<hbm>>) target(%arg7 : memref<64xi32, #tpu.memory_space<vmem>>) target_semaphore(%run_scoped3A : memref<!tpu.dma_semaphore, #tpu.memory_space<semaphore_mem>>)
      %dma_wait3A_75 = tpu.memref_slice %arg3[%add3A_56] : memref<8192xi32, #tpu.memory_space<hbm>> -> memref<64xi32, #tpu.memory_space<hbm>>
      %dma_wait3A_76 = tpu.memref_slice %arg3[%add3A_56] : memref<8192xi32, #tpu.memory_space<hbm>> -> memref<64xi32, #tpu.memory_space<hbm>>
      tpu.wait_dma2 semaphore(%run_scoped3A : memref<!tpu.dma_semaphore, #tpu.memory_space<semaphore_mem>>) src(%dma_wait3A_76 : memref<64xi32, #tpu.memory_space<hbm>>) dst(%arg7 : memref<64xi32, #tpu.memory_space<vmem>>)
      tpu.yield
    }) : () -> ()
    "tpu.region"() ({
      %run_scoped3A = tpu.sem_alloc : memref<!tpu.dma_semaphore, #tpu.memory_space<semaphore_mem>>
      %dma_start3A_73 = tpu.memref_slice %arg4[%add3A_56] : memref<8192xi32, #tpu.memory_space<hbm>> -> memref<64xi32, #tpu.memory_space<hbm>>
      %dma_start3A_74 = tpu.memref_slice %arg4[%add3A_56] : memref<8192xi32, #tpu.memory_space<hbm>> -> memref<64xi32, #tpu.memory_space<hbm>>
      tpu.enqueue_dma source(%dma_start3A_74 : memref<64xi32, #tpu.memory_space<hbm>>) target(%arg8 : memref<64xi32, #tpu.memory_space<vmem>>) target_semaphore(%run_scoped3A : memref<!tpu.dma_semaphore, #tpu.memory_space<semaphore_mem>>)
      %dma_wait3A_75 = tpu.memref_slice %arg4[%add3A_56] : memref<8192xi32, #tpu.memory_space<hbm>> -> memref<64xi32, #tpu.memory_space<hbm>>
      %dma_wait3A_76 = tpu.memref_slice %arg4[%add3A_56] : memref<8192xi32, #tpu.memory_space<hbm>> -> memref<64xi32, #tpu.memory_space<hbm>>
      tpu.wait_dma2 semaphore(%run_scoped3A : memref<!tpu.dma_semaphore, #tpu.memory_space<semaphore_mem>>) src(%dma_wait3A_76 : memref<64xi32, #tpu.memory_space<hbm>>) dst(%arg8 : memref<64xi32, #tpu.memory_space<vmem>>)
      tpu.yield
    }) : () -> ()
    %dma_start3A_57 = arith.constant 0 : i32
    %dma_start3A_58 = arith.constant 0 : i32
    %dma_start3A_59 = arith.constant 0 : i32
    %dma_start3A_60 = tpu.memref_slice %arg5[%dma_start3A_57, %dma_start3A_58, %dma_start3A_59] : memref<18432x4x128xi32, #tpu.memory_space<hbm>> -> memref<18432x4x128xi32, #tpu.memory_space<hbm>>
    tpu.enqueue_indirect_dma source(%arg6 : memref<64x4x128xi32, #tpu.memory_space<vmem>>) target(%dma_start3A_60 : memref<18432x4x128xi32, #tpu.memory_space<hbm>>) offsets(%arg7 : memref<64xi32, #tpu.memory_space<vmem>>) semaphore(%arg9 : memref<!tpu.dma_semaphore, #tpu.memory_space<semaphore_mem>>)
    %dma_wait3A_61 = arith.constant 0 : i32
    %dma_wait3A_62 = arith.constant 0 : i32
    %dma_wait3A_63 = arith.constant 0 : i32
    %dma_wait3A_64 = tpu.memref_slice %arg5[%dma_wait3A_61, %dma_wait3A_62, %dma_wait3A_63] : memref<18432x4x128xi32, #tpu.memory_space<hbm>> -> memref<18432x4x128xi32, #tpu.memory_space<hbm>>
    tpu.wait_indirect_dma semaphore(%arg9 : memref<!tpu.dma_semaphore, #tpu.memory_space<semaphore_mem>>) src(%arg6 : memref<64x4x128xi32, #tpu.memory_space<vmem>>) dst(%dma_wait3A_64 : memref<18432x4x128xi32, #tpu.memory_space<hbm>>)
    %dma_start3A_65 = arith.constant 0 : i32
    %dma_start3A_66 = arith.constant 0 : i32
    %dma_start3A_67 = arith.constant 0 : i32
    %dma_start3A_68 = tpu.memref_slice %arg5[%dma_start3A_65, %dma_start3A_66, %dma_start3A_67] : memref<18432x4x128xi32, #tpu.memory_space<hbm>> -> memref<18432x4x128xi32, #tpu.memory_space<hbm>>
    tpu.enqueue_indirect_dma source(%arg6 : memref<64x4x128xi32, #tpu.memory_space<vmem>>) target(%dma_start3A_68 : memref<18432x4x128xi32, #tpu.memory_space<hbm>>) offsets(%arg8 : memref<64xi32, #tpu.memory_space<vmem>>) semaphore(%arg9 : memref<!tpu.dma_semaphore, #tpu.memory_space<semaphore_mem>>)
    %dma_wait3A_69 = arith.constant 0 : i32
    %dma_wait3A_70 = arith.constant 0 : i32
    %dma_wait3A_71 = arith.constant 0 : i32
    %dma_wait3A_72 = tpu.memref_slice %arg5[%dma_wait3A_69, %dma_wait3A_70, %dma_wait3A_71] : memref<18432x4x128xi32, #tpu.memory_space<hbm>> -> memref<18432x4x128xi32, #tpu.memory_space<hbm>>
    tpu.wait_indirect_dma semaphore(%arg9 : memref<!tpu.dma_semaphore, #tpu.memory_space<semaphore_mem>>) src(%arg6 : memref<64x4x128xi32, #tpu.memory_space<vmem>>) dst(%dma_wait3A_72 : memref<18432x4x128xi32, #tpu.memory_space<hbm>>)
    return
  }
}

module attributes {stable_mosaic.version = 14 : i64} {
  func.func @_mlp_body(%arg0: i32, %arg1: memref<72xi32, #tpu.memory_space<smem>>, %arg2: memref<256x1024xbf16, #tpu.memory_space<vmem>>, %arg3: memref<1x2048x1024xbf16, #tpu.memory_space<vmem>>, %arg4: memref<1x1x2048xf32, #tpu.memory_space<vmem>>, %arg5: memref<1x1024x2048xbf16, #tpu.memory_space<vmem>>, %arg6: memref<1x1x1024xf32, #tpu.memory_space<vmem>>, %arg7: memref<256x1024xf32, #tpu.memory_space<vmem>>) attributes {dimension_semantics = [#tpu.dimension_semantics<arbitrary>], iteration_bounds = array<i64: 72>, scalar_prefetch = 1 : i64, scratch_operands = 0 : i64, tpu.core_type = #tpu.core_type<tc>, window_params = [{transform_indices = @transform_0, window_bounds = array<i64: 256, 1024>}, {transform_indices = @transform_1, window_bounds = array<i64: 1, 2048, 1024>}, {transform_indices = @transform_2, window_bounds = array<i64: 1, 1, 2048>}, {transform_indices = @transform_3, window_bounds = array<i64: 1, 1024, 2048>}, {transform_indices = @transform_4, window_bounds = array<i64: 1, 1, 1024>}, {transform_indices = @transform_5, window_bounds = array<i64: 256, 1024>}]} {
    %get3A = arith.constant 0 : index
    %get3A_0 = arith.constant 0 : index
    %get3A_1 = vector.load %arg2[%get3A, %get3A_0] : memref<256x1024xbf16, #tpu.memory_space<vmem>>, vector<256x1024xbf16>
    %get3A_2 = arith.constant 0 : index
    %get3A_3 = arith.constant 0 : index
    %get3A_4 = arith.constant 0 : index
    %get3A_5 = vector.load %arg3[%get3A_2, %get3A_3, %get3A_4] : memref<1x2048x1024xbf16, #tpu.memory_space<vmem>>, vector<1x2048x1024xbf16>
    %get3A_6 = vector.shape_cast %get3A_5 : vector<1x2048x1024xbf16> to vector<2048x1024xbf16>
    %dot_general3A = arith.constant dense<0.000000e+00> : vector<256x2048xf32>
    %dot_general3A_7 = tpu.matmul %get3A_1, %get3A_6, %dot_general3A {dimension_numbers = #tpu.dot_dimension_numbers<[1], [1], [0], [0], [0, 0, 1, 0], [], []>, transpose_lhs_hint = false} : vector<256x1024xbf16>, vector<2048x1024xbf16>, vector<256x2048xf32> -> vector<256x2048xf32>
    %get3A_8 = arith.constant 0 : index
    %get3A_9 = arith.constant 0 : index
    %get3A_10 = arith.constant 0 : index
    %get3A_11 = vector.load %arg4[%get3A_8, %get3A_9, %get3A_10] : memref<1x1x2048xf32, #tpu.memory_space<vmem>>, vector<1x1x2048xf32>
    %get3A_12 = vector.shape_cast %get3A_11 : vector<1x1x2048xf32> to vector<1x2048xf32>
    %add3A = vector.broadcast %get3A_12 : vector<1x2048xf32> to vector<256x2048xf32>
    %add3A_13 = arith.addf %dot_general3A_7, %add3A : vector<256x2048xf32>
    %max3A = arith.constant 0.000000e+00 : f32
    %max3A_14 = vector.broadcast %max3A : f32 to vector<256x2048xf32>
    %max3A_15 = arith.maximumf %add3A_13, %max3A_14 : vector<256x2048xf32>
    %get3A_16 = arith.constant 0 : index
    %get3A_17 = arith.constant 0 : index
    %get3A_18 = arith.constant 0 : index
    %get3A_19 = vector.load %arg5[%get3A_16, %get3A_17, %get3A_18] : memref<1x1024x2048xbf16, #tpu.memory_space<vmem>>, vector<1x1024x2048xbf16>
    %get3A_20 = vector.shape_cast %get3A_19 : vector<1x1024x2048xbf16> to vector<1024x2048xbf16>
    %convert_element_type3A = arith.truncf %max3A_15 : vector<256x2048xf32> to vector<256x2048xbf16>
    %dot_general3A_21 = arith.constant dense<0.000000e+00> : vector<256x1024xf32>
    %dot_general3A_22 = tpu.matmul %convert_element_type3A, %get3A_20, %dot_general3A_21 {dimension_numbers = #tpu.dot_dimension_numbers<[1], [1], [0], [0], [0, 0, 1, 0], [], []>, transpose_lhs_hint = false} : vector<256x2048xbf16>, vector<1024x2048xbf16>, vector<256x1024xf32> -> vector<256x1024xf32>
    %get3A_23 = arith.constant 0 : index
    %get3A_24 = arith.constant 0 : index
    %get3A_25 = arith.constant 0 : index
    %get3A_26 = vector.load %arg6[%get3A_23, %get3A_24, %get3A_25] : memref<1x1x1024xf32, #tpu.memory_space<vmem>>, vector<1x1x1024xf32>
    %get3A_27 = vector.shape_cast %get3A_26 : vector<1x1x1024xf32> to vector<1x1024xf32>
    %add3A_28 = vector.broadcast %get3A_27 : vector<1x1024xf32> to vector<256x1024xf32>
    %add3A_29 = arith.addf %dot_general3A_22, %add3A_28 : vector<256x1024xf32>
    %logistic3A = arith.negf %add3A_29 : vector<256x1024xf32>
    %logistic3A_30 = math.exp %logistic3A : vector<256x1024xf32>
    %logistic3A_31 = arith.constant 1.000000e+00 : f32
    %logistic3A_32 = vector.broadcast %logistic3A_31 : f32 to vector<256x1024xf32>
    %logistic3A_33 = arith.addf %logistic3A_32, %logistic3A_30 : vector<256x1024xf32>
    %logistic3A_34 = arith.divf %logistic3A_32, %logistic3A_33 : vector<256x1024xf32>
    %swap3A = arith.constant 0 : index
    %swap3A_35 = arith.constant 0 : index
    %swap3A_36 = vector.load %arg7[%swap3A, %swap3A_35] : memref<256x1024xf32, #tpu.memory_space<vmem>>, vector<256x1024xf32>
    tpu.vector_store %arg7[%swap3A, %swap3A_35], %logistic3A_34 {strides = array<i32>} : memref<256x1024xf32, #tpu.memory_space<vmem>>, vector<256x1024xf32>,
    return
  }
  func.func @transform_0(%arg0: i32, %arg1: memref<72xi32, #tpu.memory_space<smem>>) -> (i32, i32) {
    %c0_i32 = arith.constant 0 : i32
    %c0_i32_0 = arith.constant 0 : i32
    return %arg0, %c0_i32 : i32, i32
  }
  func.func @transform_1(%arg0: i32, %arg1: memref<72xi32, #tpu.memory_space<smem>>) -> (i32, i32, i32) {
    %get3A = arith.index_cast %arg0 : i32 to index
    %get3A_0 = memref.load %arg1[%get3A] : memref<72xi32, #tpu.memory_space<smem>>
    %c0_i32 = arith.constant 0 : i32
    %c0_i32_1 = arith.constant 0 : i32
    %c0_i32_2 = arith.constant 0 : i32
    return %get3A_0, %c0_i32, %c0_i32_1 : i32, i32, i32
  }
  func.func @transform_2(%arg0: i32, %arg1: memref<72xi32, #tpu.memory_space<smem>>) -> (i32, i32, i32) {
    %get3A = arith.index_cast %arg0 : i32 to index
    %get3A_0 = memref.load %arg1[%get3A] : memref<72xi32, #tpu.memory_space<smem>>
    %c0_i32 = arith.constant 0 : i32
    %c0_i32_1 = arith.constant 0 : i32
    %c0_i32_2 = arith.constant 0 : i32
    return %get3A_0, %c0_i32, %c0_i32_1 : i32, i32, i32
  }
  func.func @transform_3(%arg0: i32, %arg1: memref<72xi32, #tpu.memory_space<smem>>) -> (i32, i32, i32) {
    %get3A = arith.index_cast %arg0 : i32 to index
    %get3A_0 = memref.load %arg1[%get3A] : memref<72xi32, #tpu.memory_space<smem>>
    %c0_i32 = arith.constant 0 : i32
    %c0_i32_1 = arith.constant 0 : i32
    %c0_i32_2 = arith.constant 0 : i32
    return %get3A_0, %c0_i32, %c0_i32_1 : i32, i32, i32
  }
  func.func @transform_4(%arg0: i32, %arg1: memref<72xi32, #tpu.memory_space<smem>>) -> (i32, i32, i32) {
    %get3A = arith.index_cast %arg0 : i32 to index
    %get3A_0 = memref.load %arg1[%get3A] : memref<72xi32, #tpu.memory_space<smem>>
    %c0_i32 = arith.constant 0 : i32
    %c0_i32_1 = arith.constant 0 : i32
    %c0_i32_2 = arith.constant 0 : i32
    return %get3A_0, %c0_i32, %c0_i32_1 : i32, i32, i32
  }
  func.func @transform_5(%arg0: i32, %arg1: memref<72xi32, #tpu.memory_space<smem>>) -> (i32, i32) {
    %c0_i32 = arith.constant 0 : i32
    %c0_i32_0 = arith.constant 0 : i32
    return %arg0, %c0_i32 : i32, i32
  }
}

</mosaic_0001>

<sc_bundles>
// kernel: gather_offload_async_start.1
scs
__scs_entry_jumppad:
0x0: {  	(pc) =	sbr.rel $0x88, $3  }
0x1: {  	(tag) =	ssettag $0x0;
	lr =	simm.s32 $0x1  }
0x2: {  	[smem:$0x3F9A] =	sst lr;
	_ =	strace $0xD0000000  }
0x3: {  	_ = 	snop  }
0x4: {  	_ = 	snop  }
0x5: {  	_ = 	snop  }
0x6: {  	_ = 	snop  }
0x7: {  	_ = 	snop  }
__scs_overlays_trampoline_lowered:
0x8: {  	[smem:$0x3FA9] =	sst s0  }
0x9: {  	[smem:$0x3FAA] =	sst s1  }
0xa: {  	[smem:$0x3FAB] =	sst s2  }
0xb: {  	[smem:$0x3FAC] =	sst s3  }
0xc: {  	[smem:$0x3FAD] =	sst s4  }
0xd: {  	[smem:$0x3FAE] =	sst s5  }
0xe: {  	[smem:$0x3FAF] =	sst s6  }
0xf: {  	[smem:$0x3FB0] =	sst s7  }
0x10: {  	[smem:$0x3FB1] =	sst s8  }
0x11: {  	[smem:$0x3FB2] =	sst s9;
	s0 =	simm.s32 @!p0 $0x0  }
0x12: {  	s1 =	sld [smem:$0x3F98];
	s0 =	simm.s32 @p0 $0x1  }
0x13: {  	[smem:$0x3FB3] =	sst s0;
	s0 =	simm.s32 @!p1 $0x0  }
0x14: {  	s2 =	sld [smem:$0x3F97];
	s0 =	simm.s32 @p1 $0x1  }
0x15: {  	[smem:$0x3FB4] =	sst s0;
	s0 =	simm.s32 @!p2 $0x0  }
0x16: {  	s3 =	sld [smem:$0x3FDB];
	s0 =	simm.s32 @p2 $0x1  }
0x17: {  	s4 =	simm.s32 $0x1BF5;
	[smem:$0x3FB6] =	sst s0  }
0x18: {  	s0 =	sld [smem:$0x3F99];
	_ =	swait.ge [sflag:s4], $0x0  }
0x19: {  	s7 =	sld [smem:$0x3F9A]  }
0x1a: {  	s8 =	sadd.s32 $0xFFFFE003, lr  }
0x1b: {  	s9 =	sadd.s32 $0xFFFFFEF7, lr;
	s5 =	simm.s32 $0xFFFFFFFF;
	p2 =	slt.u32 s8, $0xFFFFF086  }
0x1c: {  	p1 =	slt.u32 s9, $0xF7A;
	s5 =	simm.s32 @!p2 $0x0  }
0x1d: {  	s5 =	simm.s32 @p1 $0x1;
	p0 =	seq.s32 s7, s2  }
0x1e: {  	s7 =	smul.u32 @!p0 $0xF7A, s2;
	p2 =	seq.s32 @!p0 s5, $0x0  }
0x1f: {  	s9 =	smul.u32 $0xF7A, s1;
	s8 =	simm.s32 @!p0 $0x1BF5;
	p2 =	por !p2, p0  }
0x20: {  	[sflag:s8] =	ssyncset.s32 @!p0 $0xFFFFF086;
	s6 =	sadd.s32 @!p0 s3, s7;
	s7 =	simm.s32 @!p0 $0x108  }
0x21: {  	s3 =	sadd.s32 s3, s9;
	s6 =	sadd.s32 @!p0 $0x88, s6;
	s7 =	simm.s32 @p2 $0x1082  }
0x22: {  	[simem:s7], [sflag:s8] =	dma.local @!p0 [hbm:s6], $0xF7A  }
0x23: {  	s9 =	sor.u32 $0xD0000000, s2;
	s6 =	simm.s32 $0x108;
	_ =	swait.ge @!p0 [sflag:s8], $0x0  }
0x24: {  	s3 =	sadd.s32 $0x88, s3;
	s6 =	simm.s32 @!p1 $0x1082;
	[sflag:s4] =	ssyncset.s32 $0xFFFFF086  }
0x25: {  	[simem:s6], [sflag:s4] =	dma.local [hbm:s3], $0xF7A  }
0x26: {  	[smem:$0x3F9A] =	sst s1;
	(tag) =	ssettag s2;
	_ =	strace s9  }
0x27: {  	s1 =	sld [smem:$0x3FAA]  }
0x28: {  	s2 =	sld [smem:$0x3FAB]  }
0x29: {  	s4 =	sld [smem:$0x3FAD]  }
0x2a: {  	p0 =	seq.s32 s5, $0x0;
	s5 =	sld [smem:$0x3FAE]  }
0x2b: {  	s6 =	sld [smem:$0x3FAF]  }
0x2c: {  	s7 =	sld [smem:$0x3FB0]  }
0x2d: {  	s3 =	simm.s32 $0x108;
	s8 =	sld [smem:$0x3FB1]  }
0x2e: {  	s3 =	simm.s32 @!p0 $0x1082;
	s9 =	sld [smem:$0x3FB2]  }
0x2f: {  	lr =	sadd.s32 s0, s3;
	s0 =	sld [smem:$0x3FA9]  }
0x30: {  	s3 =	sld [smem:$0x3FAC]  }
0x31: {  	[smem:$0x3FB5] =	sst s10  }
0x32: {  	s10 =	sld [smem:$0x3FB3];
	_ =	sdelay $0x3  }
0x33: {  	p0 =	seq.s32 s10, $0x1;
	s10 =	sld [smem:$0x3FB5];
	_ =	sdelay $0x3  }
0x34: {  	[smem:$0x3FB5] =	sst s10  }
0x35: {  	s10 =	sld [smem:$0x3FB4];
	_ =	sdelay $0x3  }
0x36: {  	p1 =	seq.s32 s10, $0x1;
	s10 =	sld [smem:$0x3FB5];
	_ =	sdelay $0x3  }
0x37: {  	[smem:$0x3FB5] =	sst s10  }
0x38: {  	s10 =	sld [smem:$0x3FB6]  }
0x39: {  	_ = 	snop;
	(pc) =	sbr.ind lr, $3  }
0x3a: {  	_ = 	snop  }
0x3b: {  	_ = 	snop  }
0x3c: {  	p2 =	seq.s32 s10, $0x1;
	s10 =	sld [smem:$0x3FB5]  }
0x3d: {  	_ =	shalt  }
0x3e: {  	_ =	shalt  }
0x3f: {  	_ =	shalt  }
0x40: {  	_ =	shalt  }
0x41: {  	_ =	shalt  }
0x42: {  	_ =	shalt  }
0x43: {  	_ =	shalt  }
0x44: {  	_ =	shalt  }
0x45: {  	_ =	shalt  }
0x46: {  	_ =	shalt  }
0x47: {  	_ =	shalt  }
0x48: {  	_ =	shalt  }
0x49: {  	_ =	shalt  }
0x4a: {  	_ =	shalt  }
0x4b: {  	_ =	shalt  }
0x4c: {  	_ =	shalt  }
0x4d: {  	_ =	shalt  }
0x4e: {  	_ =	shalt  }
0x4f: {  	_ =	shalt  }
0x50: {  	_ =	shalt  }
0x51: {  	_ =	shalt  }
0x52: {  	_ =	shalt  }
0x53: {  	_ =	shalt  }
0x54: {  	_ =	shalt  }
0x55: {  	_ =	shalt  }
0x56: {  	_ =	shalt  }
0x57: {  	_ =	shalt  }
0x58: {  	_ =	shalt  }
0x59: {  	_ =	shalt  }
0x5a: {  	_ =	shalt  }
0x5b: {  	_ =	shalt  }
0x5c: {  	_ =	shalt  }
0x5d: {  	_ =	shalt  }
0x5e: {  	_ =	shalt  }
0x5f: {  	_ =	shalt  }
0x60: {  	_ =	shalt  }
0x61: {  	_ =	shalt  }
0x62: {  	_ =	shalt  }
0x63: {  	_ =	shalt  }
0x64: {  	_ =	shalt  }
0x65: {  	_ =	shalt  }
0x66: {  	_ =	shalt  }
0x67: {  	_ =	shalt  }
0x68: {  	_ =	shalt  }
0x69: {  	_ =	shalt  }
0x6a: {  	_ =	shalt  }
0x6b: {  	_ =	shalt  }
0x6c: {  	_ =	shalt  }
0x6d: {  	_ =	shalt  }
0x6e: {  	_ =	shalt  }
0x6f: {  	_ =	shalt  }
0x70: {  	_ =	shalt  }
0x71: {  	_ =	shalt  }
0x72: {  	_ =	shalt  }
0x73: {  	_ =	shalt  }
0x74: {  	_ =	shalt  }
0x75: {  	_ =	shalt  }
0x76: {  	_ =	shalt  }
0x77: {  	_ =	shalt  }
0x78: {  	_ =	shalt  }
0x79: {  	_ =	shalt  }
0x7a: {  	_ =	shalt  }
0x7b: {  	_ =	shalt  }
0x7c: {  	_ =	shalt  }
0x7d: {  	_ =	shalt  }
0x7e: {  	_ =	shalt  }
0x7f: {  	_ =	shalt  }
0x80: {  	_ =	shalt  }
0x81: {  	_ =	shalt  }
0x82: {  	_ =	shalt  }
0x83: {  	_ =	shalt  }
0x84: {  	_ =	shalt  }
0x85: {  	_ =	shalt  }
0x86: {  	_ =	shalt  }
0x87: {  	_ =	shalt  }
.Lfunc_end0:
.L_simem_size_0:
called_computation.4_lowered:
.L_overlay_start_0:
0x88: {  	s2 =	sld [smem:$0x3FD9]  }
0x89: {  	s3 =	sld [smem:$0x3FFE];
	_ =	sdelay $0x1  }
0x8a: {  	s1 =	srdreg.scid  }
0x8b: {  	s0 =	sand.u32 $0x1, s1  }
0x8c: {  	s16 =	sshll.u32 s0, $0xA;
	s2 =	sadd.s32 s3, s2  }
0x8d: {  	s2 =	sadd.s32 s2, s16  }
0x8e: {  	[smem:$0x3FC1] =	sst s2  }
0x8f: {  	_ = 	snop  }
0x90: {  	(tm) =	ssettm $0x1  }
0x91: {  	s17 =	sld [smem:$0x3FFB];
	_ =	sdelay $0x3  }
0x92: {  	_ =	strace s17  }
0x93: {  	s2 =	sld [smem:$0x3FFC];
	_ =	sdelay $0x3  }
0x94: {  	_ =	strace s2  }
0x95: {  	s2 =	sld [smem:$0x3FFD];
	_ =	sdelay $0x3  }
0x96: {  	_ =	strace s2  }
0x97: {  	_ =	strace $0x8FFFFFFF  }
0x98: {  	s18 =	sld [smem:$0x3FDB];
	_ =	sdelay $0x1  }
0x99: {  	s19 =	simm.s32 $_scs_section_size  }
0x9a: {  	s4 =	simm.s32 $_size__tile_overlayer_lowered;
	s5 =	simm.s32 $_tile_overlayer_lowered  }
0x9b: {  	s22 =	simm.s32 $0x1BFF;
	s21 =	sshll.u32 s5, $0x1;
	s2 =	sadd.s32 s19, s18  }
0x9c: {  	s6 =	simm.s32 $0x0;
	s20 =	sshll.u32 s4, $0x1;
	s4 =	sadd.s32 s21, s2  }
0x9d: {  	[timem:s6], [sflag:s22] =	dma.local [hbm:s4], s20  }
0x9e: {  	_ =	swait.ge [sflag:s22], s20  }
0x9f: {  	s3 =	ssub.s32 $0x0, s20;
	[sflag:s22] =	ssyncset.done $0x0  }
0xa0: {  	[sflag:s22] =	ssyncadd.s32 s3;
	_ =	sdelay $0x1  }
0xa1: {  	s23 =	simm.s32 $0x1B8B  }
0xa2: {  	_ =	swait.ge [sflag:s23], $0x1  }
0xa3: {  	[sflag:s23] =	ssyncset.done $0x0  }
0xa4: {  	s25 =	simm.s32 $0x1B8E;
	s24 =	sld [smem:$0x3FFE];
	[sflag:s23] =	ssyncadd.s32 $0xFFFFFFFF  }
0xa5: {  	s26 =	simm.s32 $execute0_lowered;
	[smem:$0x3FD2] =	sst s25  }
0xa6: {  	s4 =	sshll.u32 s26, $0x1;
	_ =	strace $0x80000055;
	[dreg:$0x1] =	wrdreg $0xFFFFFFFF  }
0xa7: {  	s28 =	simm.s32 $_size_execute0_lowered;
	s2 =	sadd.s32 s2, s4;
	[dreg:$0x0] =	wrdreg $0x0  }
0xa8: {  	s4 =	sshll.u32 s28, $0x1;
	[dreg:$0x2] =	wrdreg s2  }
0xa9: {  	[dreg:$0x3] =	wrdreg s4  }
0xaa: {  	[dreg:$0x4] =	wrdreg $0xC0  }
0xab: {  	_ =	task [dreg:s6], $0x5FFFF  }
0xac: {  	[dreg:$0x1] =	wrdreg $0xFFFFFFFF  }
0xad: {  	[dreg:$0x0] =	wrdreg $0x60  }
0xae: {  	[dreg:$0x2] =	wrdreg s24  }
0xaf: {  	[dreg:$0x3] =	wrdreg $0x9  }
0xb0: {  	_ =	task.clear_ibuf [dreg:s6], $0x4FFFF;
	_ =	strace $0x90000055  }
0xb1: {  	s29 =	simm.s32 $0x9;
	_ =	strace $0x80000057  }
0xb2: {  	_ =	swait.ge [sflag:s29], $0x1  }
0xb3: {  	[sflag:s29] =	ssyncadd.s32 $0xFFFFFFFF  }
0xb4: {  	_ =	strace $0x90000057  }
0xb5: {  	_ =	sfence  }
0xb6: {  	s30 =	sld [smem:$0x0];
	_ =	sdelay $0x2  }
0xb7: {  	s31 =	sshll.u32 s1, $0xD;
	s1 =	sshrl.u32 s1, $0x2  }
0xb8: {  	s3 =	sand.u32 $0x4000, s31;
	s1 =	sadd.s32 s1, s30  }
0xb9: {  	s0 =	sor.u32 s3, s0;
	s1 =	sshll.u32 s1, $0x11  }
0xba: {  	s0 =	sor.u32 s1, s0  }
0xbb: {  	s0 =	sadd.s32 $0x8F2B, s0  }
0xbc: {  	[sflag:s0] =	ssyncadd.remote.s32 $0x1  }
0xbd: {  	_ =	sfence.sel $0xFFFF  }
0xbe: {  	[dreg:$0x0] =	wrdreg $0xFFFFFFFF;
	(pc) =	sbr.abs _section_cstart, $3  }
0xbf: {  	[dreg:$0x1] =	wrdreg $0xFFFFFFFF  }
0xc0: {  	_ =	task.clear_ibuf [dreg:s6], $0x2FFFF;
	_ =	strace $0x9FFFFFFF  }
0xc1: {  	(tm) =	ssettm $0x7FFFFFFF  }
tec
execute0_lowered:
.L_overlay_start_1:
0x0: {  	(tag) =	ssettag $0x1  }
0x1: {  	s7 =	rddreg [dreg:$0x0]  }
0x2: {  	s0 =	rddreg [dreg:$0x1];
	_ =	strace $0x80000056  }
0x3: {  	s1 =	srdreg.scid;
	s4 =	simm.s32 $0x1;
	s9 =	simm.s32 $0x3  }
0x4: {  	s11 =	simm.s32 $0x0;
	p0 =	por $0x0, $0x0;
	s5 =	sshll.u32 s1, $0x4  }
.Ltmp0:
0x5: {  	s1 =	stileid.u32;
	s5 =	sand.u32 $0x10, s5;
	(pc) =	sbr.rel .LBB2_1-.Ltmp0, $4  }
0x6: {  	s2 =	sadd.s32 $0x2C00, s7;
	s3 =	sadd.s32 $0x2800, s7;
	s6 =	sor.u32 s1, s5  }
0x7: {  	[sflag:s4] =	ssyncpa.u1 $0x0;
	s5 =	simm.s32 $0x2;
	s6 =	sshll.u32 s6, $0x8  }
0x8: {  	s7 =	sadd.s32 $0x242C00, s7;
	[sflag:s5] =	ssyncpa.u1 $0x0;
	s8 =	sadd.s32 $0x100, s6  }
0x9: {  	vm0 =	vmmov $0xff;
	vm1 =	vcmask $0x3F20;
	[sflag:s9] =	ssyncpa.u1 $0x0;
	s10 =	smov.u32 s6;
	s9 =	simm.s32 $0x0  }
.LBB2_9:
0xa: {  	p1 =	slt.u32 s9, $0x2;
	s11 =	sadd.s32 $0x20, s10  }
0xb: {  	s13 =	smov.u32 s6;
	s9 =	sadd.s32 $0x1, s9;
	p2 =	slt.s32 s11, s8  }
0xc: {  	s13 =	smov.u32 @p2 s11;
	p2 =	sne.s32 s9, $0xA  }
.Ltmp1:
0xd: {  	_ = 	snop;
	(pc) =	sbr.rel @!p2 .LBB2_10-.Ltmp1, $4  }
0xe: {  	s12 =	simm.s32 @!p1 $0x3  }
0xf: {  	_ =	swait.ge @!p1 [sflag:s12], $0x8000  }
0x10: {  	p0 =	por !p0, !p0;
	[sflag:s12] =	ssyncset.done @!p1 $0x0  }
0x11: {  	s11 =	smov.u32 s10;
	s10 =	smov.u32 s13;
	[sflag:s12] =	ssyncadd.s32 @!p1 $0xFFFF8000  }
.LBB2_1:
0x12: {  	p1 =	sgt.u32 s9, $0x7  }
0x13: {  	s12 =	sxor.u32 @!p1 $0xFFFFFFFF, s9  }
0x14: {  	s13 =	sshrl.u32 @!p1 s10, $0x3;
	s12 =	sshll.u32 @!p1 s12, $0x5  }
0x15: {  	s14 =	sand.u32 @!p1 $0x7, s10;
	s13 =	sadd.s32 @!p1 s3, s13;
	s12 =	sand.u32 @!p1 $0x20, s12  }
0x16: {  	[tilespmem:s12], [sflag:$0x2] =	stream.linear.gather @!p1 [hbm4b:s13+s14], $0x20, $0x38;
	[tilespmem:$0x10040] =	vst v63  }
0x17: {  	p1 =	seq.s32 s9, $0x0  }
0x18: {  	p2 =	seq.s32 @!p1 s9, $0x9  }
0x19: {  	p1 =	por p1, p2  }
.Ltmp2:
0x1a: {  	_ = 	snop;
	(pc) =	sbr.rel @p1 .LBB2_9-.Ltmp2, $1  }
0x1b: {  	_ =	sdelay $0x3  }
0x1c: {  	s12 =	simm.s32 $0x1  }
0x1d: {  	_ =	swait.ge [sflag:s5], $0x20;
	s13 =	sand.u32 $0x1, s9;
	s12 =	simm.s32 @!p0 $0x0  }
0x1e: {  	s15 =	simm.s32 $0x0;
	p2 =	por $0x1, $0x1;
	s12 =	sshll.u32 s12, $0x11  }
0x1f: {  	[sflag:s5] =	ssyncset.done $0x0;
	s13 =	sshll.u32 s13, $0x5;
	s14 =	sshrl.u32 s12, $0x2  }
0x20: {  	[sflag:s5] =	ssyncadd.s32 $0xFFFFFFE0;
	s12 =	sor.u32 $0x40, s14;
	s14 =	sadd.s32 $0x40, s14  }
.LBB2_3:
0x21: {  	s16 =	sshll.u32 s15, $0x4  }
0x22: {  	s16 =	sand.u32 $0x3FFFFFF0, s16  }
0x23: {  	s16 =	sadd.s32 s16, s13  }
0x24: {  	v0 =	vld.msk [tilespmem:s16+$0x0 ss:$0x1], $0xffff;
	_ =	sdelay $0x4  }
0x25: {  	vm2 =	vgt.s32 v0, $0x0  }
0x26: {  	v0 =	vnsel vm2, $0x0, v0  }
0x27: {  	v0 =	vmin.u32 v0, $0x47FF  }
0x28: {  	v1 =	vshll.u32 v0, $0x7;
	v0 =	vshll.u32 v0, $0x4  }
0x29: {  	v1 =	vand.u32 $0x3FFC00, v1;
	v0 =	vand.u32 $0x70, v0  }
0x2a: {  	v0 =	vor.u32 v0, v1  }
0x2b: {  	s31 =	sshll.u32 s15, $0x10  }
0x2c: {  	s15 =	sshra.s32 s31, $0x2  }
0x2d: {  	s15 =	sadd.s32 s15, s14  }
0x2e: {  	s17 =	sadd.s32 $0x0, s15  }
0x2f: {  	[tilespmem:s17], [sflag:$0x1] =	stream.indirect_vreg.gather [hbm:s2], $0x80, v0, vm0, $0x38;
	[tilespmem:$0x10040] =	vst v63  }
0x30: {  	p1 =	por p2, p2;
	s16 =	simm.s32 $0x1000;
	v1 =	vadd.s32 $0x80, v0;
	s17 =	sadd.s32 $0x2000, s17  }
.LBB2_4:
0x31: {  	[tilespmem:s17], [sflag:$0x1] =	stream.indirect_vreg.gather [hbm:s2], $0x80, v0, vm1, $0x38;
	[tilespmem:$0x10040] =	vst v63  }
0x32: {  	v0 =	vmov v1;
	s17 =	smov.u32 s16;
	p2 =	sne.s32 s16, $0x7000  }
.Ltmp3:
0x33: {  	s16 =	sadd.s32 $0x1000, s16;
	(pc) =	sbr.rel @p2 .LBB2_4-.Ltmp3, $4  }
0x34: {  	s17 =	sshra.s32 s17, $0x2  }
0x35: {  	s17 =	sadd.s32 s17, s15  }
0x36: {  	[tilespmem:s17], [sflag:$0x1] =	stream.indirect_vreg.gather [hbm:s2], $0x80, v1, vm0, $0x38;
	[tilespmem:$0x10040] =	vst v63  }
0x37: {  	s17 =	sadd.s32 $0x2000, s17;
	v1 =	vadd.s32 $0x80, v1  }
0x38: {  	_ = 	snop  }
.Ltmp4:
0x39: {  	_ = 	snop;
	(pc) =	sbr.rel @p1 .LBB2_3-.Ltmp4, $3  }
0x3a: {  	_ =	sdelay $0x1  }
0x3b: {  	[tilespmem:s17], [sflag:$0x1] =	stream.indirect_vreg.gather [hbm:s2], $0x80, v0, vm1, $0x38;
	[tilespmem:$0x10040] =	vst v63  }
0x3c: {  	s15 =	simm.s32 $0x1;
	p2 =	por $0x0, $0x0  }
0x3d: {  	s13 =	sshll.u32 s11, $0x7  }
0x3e: {  	s31 =	sshll.u32 s11, $0x4;
	s13 =	sand.u32 $0xFFFFFC00, s13  }
0x3f: {  	_ =	swait.ge [sflag:s4], $0x8000;
	s11 =	sand.u32 $0x70, s31;
	s13 =	sadd.s32 s13, s7  }
0x40: {  	s14 =	sadd.s32 $0x2000, s12;
	[sflag:s4] =	ssyncset.done $0x0;
	s11 =	sadd.s32 s11, s13  }
0x41: {  	[sflag:s4] =	ssyncadd.s32 $0xFFFF8000;
	s13 =	simm.s32 $0x400;
	s15 =	sadd.s32 $0x0, s11  }
.LBB2_7:
0x42: {  	[hbm:s15] =	stream.linear.scatter [tilespmem:s12], [sflag:$0x3], $0x2000, $0x38;
	[tilespmem:$0x10040] =	vst v63  }
0x43: {  	s15 =	smov.u32 s13;
	s12 =	smov.u32 s14;
	p1 =	sne.s32 s13, $0xC00  }
.Ltmp5:
0x44: {  	s13 =	sadd.s32 $0x400, s13;
	(pc) =	sbr.rel @p1 .LBB2_7-.Ltmp5, $2  }
0x45: {  	_ =	sdelay $0x2  }
0x46: {  	s14 =	sadd.s32 $0x2000, s14;
	s15 =	sadd.s32 s15, s11  }
.Ltmp6:
0x47: {  	(pc) =	sbr.rel .LBB2_9-.Ltmp6, $2  }
0x48: {  	_ =	sdelay $0x2  }
0x49: {  	[hbm:s15] =	stream.linear.scatter [tilespmem:s12], [sflag:$0x3], $0x2000, $0x38;
	[tilespmem:$0x10040] =	vst v63  }
.LBB2_10:
0x4a: {  	_ =	sfence.sel $0x180000  }
0x4b: {  	s2 =	simm.s32 $0x2;
	[bflag:$0x0] =	sbarrier.arrive $0xFFFF  }
0x4c: {  	s30 =	simm.s32 $0x3;
	[sflag:s2] =	ssyncpa.u1 $0x1  }
0x4d: {  	s31 =	simm.s32 $0x1;
	[sflag:s30] =	ssyncpa.u1 $0x1  }
0x4e: {  	[sflag:s31] =	ssyncpa.u1 $0x1  }
0x4f: {  	p0 =	sne.s32 s1, $0x0;
	_ =	strace $0x90000056  }
0x50: {  	s0 =	sadd.s32 @!p0 $0x100000, s0;
	[bflag:$0x2] =	sbarrier.arrive $0xFFFF  }
0x51: {  	[sflag:s0] =	ssyncadd.tile.s32 @!p0 $0x1;
	_ =	shalt  }
.Lfunc_end2:
_tile_overlayer_lowered:
.L_overlay_start_2:
0x52: {  	(tag) =	ssettag $0x2  }
0x53: {  	s0 =	rddreg [dreg:$0x0];
	s2 =	stileid.u32  }
0x54: {  	s1 =	rddreg [dreg:$0x1];
	p0 =	sne.s32 s2, $0x0  }
0x55: {  	s3 =	rddreg [dreg:$0x2];
	[bflag:$0x3] =	sbarrier.arrive $0xFFFF;
	s2 =	simm.s32 @!p0 $0x1C01  }
0x56: {  	[timem:s3], [sflag:s2] =	dma.local @!p0 [hbm:s0], s1  }
0x57: {  	s0 =	simm.s32 @!p0 $0x1  }
0x58: {  	_ =	swait.ge @!p0 [sflag:s0], s1  }
0x59: {  	s1 =	ssub.s32 @!p0 $0x0, s1;
	[sflag:s0] =	ssyncset.done @!p0 $0x0  }
0x5a: {  	[sflag:s0] =	ssyncadd.s32 @!p0 s1  }
0x5b: {  	[bflag:$0x3] =	sbarrier.arrive $0xFFFF  }
0x5c: {  	_ =	shalt  }

// kernel: gather_offload_async_start.2
scs
__scs_entry_jumppad:
0x0: {  	(pc) =	sbr.rel $0x88, $3  }
0x1: {  	(tag) =	ssettag $0x0;
	lr =	simm.s32 $0x1  }
0x2: {  	[smem:$0x3F9A] =	sst lr;
	_ =	strace $0xD0000000  }
0x3: {  	_ = 	snop  }
0x4: {  	_ = 	snop  }
0x5: {  	_ = 	snop  }
0x6: {  	_ = 	snop  }
0x7: {  	_ = 	snop  }
__scs_overlays_trampoline_lowered:
0x8: {  	[smem:$0x3FA9] =	sst s0  }
0x9: {  	[smem:$0x3FAA] =	sst s1  }
0xa: {  	[smem:$0x3FAB] =	sst s2  }
0xb: {  	[smem:$0x3FAC] =	sst s3  }
0xc: {  	[smem:$0x3FAD] =	sst s4  }
0xd: {  	[smem:$0x3FAE] =	sst s5  }
0xe: {  	[smem:$0x3FAF] =	sst s6  }
0xf: {  	[smem:$0x3FB0] =	sst s7  }
0x10: {  	[smem:$0x3FB1] =	sst s8  }
0x11: {  	[smem:$0x3FB2] =	sst s9;
	s0 =	simm.s32 @!p0 $0x0  }
0x12: {  	s1 =	sld [smem:$0x3F98];
	s0 =	simm.s32 @p0 $0x1  }
0x13: {  	[smem:$0x3FB3] =	sst s0;
	s0 =	simm.s32 @!p1 $0x0  }
0x14: {  	s2 =	sld [smem:$0x3F97];
	s0 =	simm.s32 @p1 $0x1  }
0x15: {  	[smem:$0x3FB4] =	sst s0;
	s0 =	simm.s32 @!p2 $0x0  }
0x16: {  	s3 =	sld [smem:$0x3FDB];
	s0 =	simm.s32 @p2 $0x1  }
0x17: {  	s4 =	simm.s32 $0x1BF5;
	[smem:$0x3FB6] =	sst s0  }
0x18: {  	s0 =	sld [smem:$0x3F99];
	_ =	swait.ge [sflag:s4], $0x0  }
0x19: {  	s7 =	sld [smem:$0x3F9A]  }
0x1a: {  	s8 =	sadd.s32 $0xFFFFE003, lr  }
0x1b: {  	s9 =	sadd.s32 $0xFFFFFEF7, lr;
	s5 =	simm.s32 $0xFFFFFFFF;
	p2 =	slt.u32 s8, $0xFFFFF086  }
0x1c: {  	p1 =	slt.u32 s9, $0xF7A;
	s5 =	simm.s32 @!p2 $0x0  }
0x1d: {  	s5 =	simm.s32 @p1 $0x1;
	p0 =	seq.s32 s7, s2  }
0x1e: {  	s7 =	smul.u32 @!p0 $0xF7A, s2;
	p2 =	seq.s32 @!p0 s5, $0x0  }
0x1f: {  	s9 =	smul.u32 $0xF7A, s1;
	s8 =	simm.s32 @!p0 $0x1BF5;
	p2 =	por !p2, p0  }
0x20: {  	[sflag:s8] =	ssyncset.s32 @!p0 $0xFFFFF086;
	s6 =	sadd.s32 @!p0 s3, s7;
	s7 =	simm.s32 @!p0 $0x108  }
0x21: {  	s3 =	sadd.s32 s3, s9;
	s6 =	sadd.s32 @!p0 $0x88, s6;
	s7 =	simm.s32 @p2 $0x1082  }
0x22: {  	[simem:s7], [sflag:s8] =	dma.local @!p0 [hbm:s6], $0xF7A  }
0x23: {  	s9 =	sor.u32 $0xD0000000, s2;
	s6 =	simm.s32 $0x108;
	_ =	swait.ge @!p0 [sflag:s8], $0x0  }
0x24: {  	s3 =	sadd.s32 $0x88, s3;
	s6 =	simm.s32 @!p1 $0x1082;
	[sflag:s4] =	ssyncset.s32 $0xFFFFF086  }
0x25: {  	[simem:s6], [sflag:s4] =	dma.local [hbm:s3], $0xF7A  }
0x26: {  	[smem:$0x3F9A] =	sst s1;
	(tag) =	ssettag s2;
	_ =	strace s9  }
0x27: {  	s1 =	sld [smem:$0x3FAA]  }
0x28: {  	s2 =	sld [smem:$0x3FAB]  }
0x29: {  	s4 =	sld [smem:$0x3FAD]  }
0x2a: {  	p0 =	seq.s32 s5, $0x0;
	s5 =	sld [smem:$0x3FAE]  }
0x2b: {  	s6 =	sld [smem:$0x3FAF]  }
0x2c: {  	s7 =	sld [smem:$0x3FB0]  }
0x2d: {  	s3 =	simm.s32 $0x108;
	s8 =	sld [smem:$0x3FB1]  }
0x2e: {  	s3 =	simm.s32 @!p0 $0x1082;
	s9 =	sld [smem:$0x3FB2]  }
0x2f: {  	lr =	sadd.s32 s0, s3;
	s0 =	sld [smem:$0x3FA9]  }
0x30: {  	s3 =	sld [smem:$0x3FAC]  }
0x31: {  	[smem:$0x3FB5] =	sst s10  }
0x32: {  	s10 =	sld [smem:$0x3FB3];
	_ =	sdelay $0x3  }
0x33: {  	p0 =	seq.s32 s10, $0x1;
	s10 =	sld [smem:$0x3FB5];
	_ =	sdelay $0x3  }
0x34: {  	[smem:$0x3FB5] =	sst s10  }
0x35: {  	s10 =	sld [smem:$0x3FB4];
	_ =	sdelay $0x3  }
0x36: {  	p1 =	seq.s32 s10, $0x1;
	s10 =	sld [smem:$0x3FB5];
	_ =	sdelay $0x3  }
0x37: {  	[smem:$0x3FB5] =	sst s10  }
0x38: {  	s10 =	sld [smem:$0x3FB6]  }
0x39: {  	_ = 	snop;
	(pc) =	sbr.ind lr, $3  }
0x3a: {  	_ = 	snop  }
0x3b: {  	_ = 	snop  }
0x3c: {  	p2 =	seq.s32 s10, $0x1;
	s10 =	sld [smem:$0x3FB5]  }
0x3d: {  	_ =	shalt  }
0x3e: {  	_ =	shalt  }
0x3f: {  	_ =	shalt  }
0x40: {  	_ =	shalt  }
0x41: {  	_ =	shalt  }
0x42: {  	_ =	shalt  }
0x43: {  	_ =	shalt  }
0x44: {  	_ =	shalt  }
0x45: {  	_ =	shalt  }
0x46: {  	_ =	shalt  }
0x47: {  	_ =	shalt  }
0x48: {  	_ =	shalt  }
0x49: {  	_ =	shalt  }
0x4a: {  	_ =	shalt  }
0x4b: {  	_ =	shalt  }
0x4c: {  	_ =	shalt  }
0x4d: {  	_ =	shalt  }
0x4e: {  	_ =	shalt  }
0x4f: {  	_ =	shalt  }
0x50: {  	_ =	shalt  }
0x51: {  	_ =	shalt  }
0x52: {  	_ =	shalt  }
0x53: {  	_ =	shalt  }
0x54: {  	_ =	shalt  }
0x55: {  	_ =	shalt  }
0x56: {  	_ =	shalt  }
0x57: {  	_ =	shalt  }
0x58: {  	_ =	shalt  }
0x59: {  	_ =	shalt  }
0x5a: {  	_ =	shalt  }
0x5b: {  	_ =	shalt  }
0x5c: {  	_ =	shalt  }
0x5d: {  	_ =	shalt  }
0x5e: {  	_ =	shalt  }
0x5f: {  	_ =	shalt  }
0x60: {  	_ =	shalt  }
0x61: {  	_ =	shalt  }
0x62: {  	_ =	shalt  }
0x63: {  	_ =	shalt  }
0x64: {  	_ =	shalt  }
0x65: {  	_ =	shalt  }
0x66: {  	_ =	shalt  }
0x67: {  	_ =	shalt  }
0x68: {  	_ =	shalt  }
0x69: {  	_ =	shalt  }
0x6a: {  	_ =	shalt  }
0x6b: {  	_ =	shalt  }
0x6c: {  	_ =	shalt  }
0x6d: {  	_ =	shalt  }
0x6e: {  	_ =	shalt  }
0x6f: {  	_ =	shalt  }
0x70: {  	_ =	shalt  }
0x71: {  	_ =	shalt  }
0x72: {  	_ =	shalt  }
0x73: {  	_ =	shalt  }
0x74: {  	_ =	shalt  }
0x75: {  	_ =	shalt  }
0x76: {  	_ =	shalt  }
0x77: {  	_ =	shalt  }
0x78: {  	_ =	shalt  }
0x79: {  	_ =	shalt  }
0x7a: {  	_ =	shalt  }
0x7b: {  	_ =	shalt  }
0x7c: {  	_ =	shalt  }
0x7d: {  	_ =	shalt  }
0x7e: {  	_ =	shalt  }
0x7f: {  	_ =	shalt  }
0x80: {  	_ =	shalt  }
0x81: {  	_ =	shalt  }
0x82: {  	_ =	shalt  }
0x83: {  	_ =	shalt  }
0x84: {  	_ =	shalt  }
0x85: {  	_ =	shalt  }
0x86: {  	_ =	shalt  }
0x87: {  	_ =	shalt  }
.Lfunc_end0:
.L_simem_size_0:
called_computation.5_lowered:
.L_overlay_start_0:
0x88: {  	s2 =	sld [smem:$0x3FD9]  }
0x89: {  	s3 =	sld [smem:$0x3FFE];
	_ =	sdelay $0x1  }
0x8a: {  	s1 =	srdreg.scid  }
0x8b: {  	s0 =	sand.u32 $0x1, s1  }
0x8c: {  	s17 =	sshll.u32 s0, $0xA;
	s2 =	sadd.s32 s3, s2  }
0x8d: {  	s2 =	sadd.s32 s2, s17  }
0x8e: {  	[smem:$0x3FC1] =	sst s2  }
0x8f: {  	_ = 	snop  }
0x90: {  	s18 =	sld [smem:$0x3FD0];
	(tm) =	ssettm $0x1  }
0x91: {  	s19 =	sld [smem:$0x3FFB];
	_ =	sdelay $0x3  }
0x92: {  	_ =	strace s19  }
0x93: {  	s2 =	sld [smem:$0x3FFC];
	_ =	sdelay $0x3  }
0x94: {  	_ =	strace s2  }
0x95: {  	s2 =	sld [smem:$0x3FFD];
	_ =	sdelay $0x3  }
0x96: {  	_ =	strace s2  }
0x97: {  	_ =	strace $0x8FFFFFFF  }
0x98: {  	s20 =	sld [smem:$0x3FDB];
	_ =	sdelay $0x1  }
0x99: {  	s4 =	simm.s32 $_scs_section_size  }
0x9a: {  	s5 =	simm.s32 $_size__tile_overlayer_lowered;
	s6 =	simm.s32 $_tile_overlayer_lowered  }
0x9b: {  	s7 =	simm.s32 $0x1BFF;
	s21 =	sshll.u32 s6, $0x1;
	s4 =	sadd.s32 s4, s20  }
0x9c: {  	s22 =	simm.s32 $0x0;
	s5 =	sshll.u32 s5, $0x1;
	s6 =	sadd.s32 s21, s4  }
0x9d: {  	[timem:s22], [sflag:s7] =	dma.local [hbm:s6], s5  }
0x9e: {  	_ =	swait.ge [sflag:s7], s5  }
0x9f: {  	s5 =	ssub.s32 $0x0, s5;
	[sflag:s7] =	ssyncset.done $0x0  }
0xa0: {  	[sflag:s7] =	ssyncadd.s32 s5;
	_ =	sdelay $0x1  }
0xa1: {  	s23 =	simm.s32 $0x1B8B  }
0xa2: {  	_ =	swait.ge [sflag:s23], $0x1  }
0xa3: {  	[sflag:s23] =	ssyncset.done $0x0  }
0xa4: {  	[sflag:s23] =	ssyncadd.s32 $0xFFFFFFFF  }
0xa5: {  	s5 =	sld [smem:$0x0]  }
0xa6: {  	s6 =	sand.u32 $0xFFFFFFFE, s1  }
0xa7: {  	p0 =	sne.s32 s1, s6  }
0xa8: {  	s6 =	sshll.u32 @p0 s6, $0xE  }
0xa9: {  	s6 =	sadd.s32 @p0 $0x11B8D, s6;
	s7 =	sshll.u32 @p0 s5, $0x11  }
0xaa: {  	s6 =	sor.u32 @p0 s7, s6  }
0xab: {  	[sflag:s6] =	ssyncadd.remote.s32 @p0 $0x1;
	_ =	sdelay $0x1  }
0xac: {  	s6 =	simm.s32 @p0 $0x1B8D  }
0xad: {  	_ =	swait.eq @p0 [sflag:s6], $0x1  }
0xae: {  	[sflag:s6] =	ssyncadd.s32 @p0 $0xFFFFFFFF  }
0xaf: {  	s7 =	sshll.u32 @!p0 s1, $0xE  }
0xb0: {  	s7 =	sor.u32 @!p0 $0x4000, s7;
	s6 =	simm.s32 @!p0 $0x1B8D  }
0xb1: {  	s5 =	sshll.u32 @!p0 s5, $0x11;
	s7 =	sadd.s32 @!p0 $0x11B8D, s7;
	_ =	swait.eq @!p0 [sflag:s6], $0x1  }
0xb2: {  	s5 =	sor.u32 @!p0 s5, s7;
	[sflag:s6] =	ssyncadd.s32 @!p0 $0xFFFFFFFF  }
0xb3: {  	s25 =	simm.s32 $0x1B8E;
	s24 =	sld [smem:$0x3FFE];
	[sflag:s5] =	ssyncadd.remote.s32 @!p0 $0x1  }
0xb4: {  	s26 =	simm.s32 $execute0_lowered;
	[smem:$0x3FD2] =	sst s25  }
0xb5: {  	s6 =	sshll.u32 s26, $0x1;
	_ =	strace $0x80000058;
	[dreg:$0x1] =	wrdreg $0xFFFFFFFF  }
0xb6: {  	s28 =	simm.s32 $_size_execute0_lowered;
	s4 =	sadd.s32 s4, s6;
	[dreg:$0x0] =	wrdreg $0x0  }
0xb7: {  	s6 =	sshll.u32 s28, $0x1;
	[dreg:$0x2] =	wrdreg s4  }
0xb8: {  	[dreg:$0x3] =	wrdreg s6  }
0xb9: {  	[dreg:$0x4] =	wrdreg $0xC0  }
0xba: {  	_ =	task [dreg:s22], $0x5FFFF  }
0xbb: {  	[dreg:$0x1] =	wrdreg $0xFFFFFFFF  }
0xbc: {  	[dreg:$0x0] =	wrdreg $0x60  }
0xbd: {  	[dreg:$0x2] =	wrdreg s24  }
0xbe: {  	[dreg:$0x3] =	wrdreg s18  }
0xbf: {  	[dreg:$0x4] =	wrdreg $0xA  }
0xc0: {  	_ =	task.clear_ibuf [dreg:s22], $0x5FFFF;
	_ =	strace $0x90000058  }
0xc1: {  	s29 =	simm.s32 $0xA;
	_ =	strace $0x8000005A  }
0xc2: {  	_ =	swait.ge [sflag:s29], $0x1  }
0xc3: {  	[sflag:s29] =	ssyncadd.s32 $0xFFFFFFFF  }
0xc4: {  	_ =	strace $0x9000005A  }
0xc5: {  	_ =	sfence  }
0xc6: {  	s30 =	sld [smem:$0x0];
	_ =	sdelay $0x2  }
0xc7: {  	s31 =	sshll.u32 s1, $0xD;
	s1 =	sshrl.u32 s1, $0x2  }
0xc8: {  	s4 =	sand.u32 $0x4000, s31;
	s1 =	sadd.s32 s1, s30  }
0xc9: {  	s0 =	sor.u32 s4, s0;
	s1 =	sshll.u32 s1, $0x11  }
0xca: {  	s0 =	sor.u32 s1, s0  }
0xcb: {  	s0 =	sadd.s32 $0x8F2B, s0  }
0xcc: {  	[sflag:s0] =	ssyncadd.remote.s32 $0x1  }
0xcd: {  	_ =	sfence.sel $0xFFFF  }
0xce: {  	[dreg:$0x0] =	wrdreg $0xFFFFFFFF;
	(pc) =	sbr.abs _section_cstart, $3  }
0xcf: {  	[dreg:$0x1] =	wrdreg $0xFFFFFFFF  }
0xd0: {  	_ =	task.clear_ibuf [dreg:s22], $0x2FFFF;
	_ =	strace $0x9FFFFFFF  }
0xd1: {  	(tm) =	ssettm $0x7FFFFFFF  }
tec
execute0_lowered:
.L_overlay_start_1:
0x0: {  	(tag) =	ssettag $0x1  }
0x1: {  	s7 =	rddreg [dreg:$0x0]  }
0x2: {  	s2 =	rddreg [dreg:$0x1]  }
0x3: {  	s0 =	rddreg [dreg:$0x2]  }
0x4: {  	s1 =	srdreg.scid;
	_ =	strace $0x80000059;
	s4 =	simm.s32 $0x1  }
0x5: {  	s9 =	simm.s32 $0x3;
	s11 =	simm.s32 $0x0;
	s5 =	sshll.u32 s1, $0x4  }
.Ltmp0:
0x6: {  	s1 =	stileid.u32;
	s5 =	sand.u32 $0x10, s5;
	(pc) =	sbr.rel .LBB2_1-.Ltmp0, $4  }
0x7: {  	p0 =	por $0x0, $0x0;
	s3 =	sadd.s32 $0x2C00, s7;
	s6 =	sor.u32 s1, s5  }
0x8: {  	[sflag:s4] =	ssyncpa.u1 $0x0;
	s5 =	simm.s32 $0x2;
	s6 =	sshll.u32 s6, $0x8  }
0x9: {  	s7 =	sadd.s32 $0x342C00, s7;
	[sflag:s5] =	ssyncpa.u1 $0x0;
	s8 =	sadd.s32 $0x100, s6  }
0xa: {  	vm0 =	vmmov $0xff;
	vm1 =	vcmask $0x3F20;
	[sflag:s9] =	ssyncpa.u1 $0x0;
	s10 =	smov.u32 s6;
	s9 =	simm.s32 $0x0  }
.LBB2_9:
0xb: {  	p1 =	slt.u32 s9, $0x2;
	s11 =	sadd.s32 $0x20, s10  }
0xc: {  	s13 =	smov.u32 s6;
	s9 =	sadd.s32 $0x1, s9;
	p2 =	slt.s32 s11, s8  }
0xd: {  	s13 =	smov.u32 @p2 s11;
	p2 =	sne.s32 s9, $0xA  }
.Ltmp1:
0xe: {  	_ = 	snop;
	(pc) =	sbr.rel @!p2 .LBB2_10-.Ltmp1, $4  }
0xf: {  	s12 =	simm.s32 @!p1 $0x3  }
0x10: {  	_ =	swait.ge @!p1 [sflag:s12], $0x8000  }
0x11: {  	p0 =	por !p0, !p0;
	[sflag:s12] =	ssyncset.done @!p1 $0x0  }
0x12: {  	s11 =	smov.u32 s10;
	s10 =	smov.u32 s13;
	[sflag:s12] =	ssyncadd.s32 @!p1 $0xFFFF8000  }
.LBB2_1:
0x13: {  	p1 =	sgt.u32 s9, $0x7  }
0x14: {  	s12 =	sxor.u32 @!p1 $0xFFFFFFFF, s9  }
0x15: {  	s13 =	sshrl.u32 @!p1 s10, $0x3;
	s12 =	sshll.u32 @!p1 s12, $0x5  }
0x16: {  	s14 =	sand.u32 @!p1 $0x7, s10;
	s13 =	sadd.s32 @!p1 s7, s13;
	s12 =	sand.u32 @!p1 $0x20, s12  }
0x17: {  	[tilespmem:s12], [sflag:$0x2] =	stream.linear.gather @!p1 [hbm4b:s13+s14], $0x20, $0x38;
	[tilespmem:$0x10040] =	vst v63  }
0x18: {  	p1 =	seq.s32 s9, $0x0  }
0x19: {  	p2 =	seq.s32 @!p1 s9, $0x9  }
0x1a: {  	p1 =	por p1, p2  }
.Ltmp2:
0x1b: {  	_ = 	snop;
	(pc) =	sbr.rel @p1 .LBB2_9-.Ltmp2, $1  }
0x1c: {  	_ =	sdelay $0x3  }
0x1d: {  	s12 =	simm.s32 $0x1  }
0x1e: {  	_ =	swait.ge [sflag:s5], $0x20;
	s13 =	sand.u32 $0x1, s9;
	s12 =	simm.s32 @!p0 $0x0  }
0x1f: {  	s15 =	simm.s32 $0x0;
	p2 =	por $0x1, $0x1;
	s12 =	sshll.u32 s12, $0x11  }
0x20: {  	[sflag:s5] =	ssyncset.done $0x0;
	s13 =	sshll.u32 s13, $0x5;
	s14 =	sshrl.u32 s12, $0x2  }
0x21: {  	[sflag:s5] =	ssyncadd.s32 $0xFFFFFFE0;
	s12 =	sor.u32 $0x40, s14;
	s14 =	sadd.s32 $0x40, s14  }
.LBB2_3:
0x22: {  	s16 =	sshll.u32 s15, $0x4  }
0x23: {  	s16 =	sand.u32 $0x3FFFFFF0, s16  }
0x24: {  	s16 =	sadd.s32 s16, s13  }
0x25: {  	v0 =	vld.msk [tilespmem:s16+$0x0 ss:$0x1], $0xffff;
	_ =	sdelay $0x4  }
0x26: {  	vm2 =	vgt.s32 v0, $0x0  }
0x27: {  	v0 =	vnsel vm2, $0x0, v0  }
0x28: {  	v0 =	vmin.u32 v0, $0x47FF  }
0x29: {  	v1 =	vshll.u32 v0, $0x7;
	v0 =	vshll.u32 v0, $0x4  }
0x2a: {  	v1 =	vand.u32 $0x3FFC00, v1;
	v0 =	vand.u32 $0x70, v0  }
0x2b: {  	v0 =	vor.u32 v0, v1  }
0x2c: {  	s31 =	sshll.u32 s15, $0x10  }
0x2d: {  	s15 =	sshra.s32 s31, $0x2  }
0x2e: {  	s15 =	sadd.s32 s15, s14  }
0x2f: {  	s17 =	sadd.s32 $0x0, s15  }
0x30: {  	[tilespmem:s17], [sflag:$0x1] =	stream.indirect_vreg.gather [hbm:s3], $0x80, v0, vm0, $0x38;
	[tilespmem:$0x10040] =	vst v63  }
0x31: {  	p1 =	por p2, p2;
	s16 =	simm.s32 $0x1000;
	v1 =	vadd.s32 $0x80, v0;
	s17 =	sadd.s32 $0x2000, s17  }
.LBB2_4:
0x32: {  	[tilespmem:s17], [sflag:$0x1] =	stream.indirect_vreg.gather [hbm:s3], $0x80, v0, vm1, $0x38;
	[tilespmem:$0x10040] =	vst v63  }
0x33: {  	v0 =	vmov v1;
	s17 =	smov.u32 s16;
	p2 =	sne.s32 s16, $0x7000  }
.Ltmp3:
0x34: {  	s16 =	sadd.s32 $0x1000, s16;
	(pc) =	sbr.rel @p2 .LBB2_4-.Ltmp3, $4  }
0x35: {  	s17 =	sshra.s32 s17, $0x2  }
0x36: {  	s17 =	sadd.s32 s17, s15  }
0x37: {  	[tilespmem:s17], [sflag:$0x1] =	stream.indirect_vreg.gather [hbm:s3], $0x80, v1, vm0, $0x38;
	[tilespmem:$0x10040] =	vst v63  }
0x38: {  	s17 =	sadd.s32 $0x2000, s17;
	v1 =	vadd.s32 $0x80, v1  }
0x39: {  	_ = 	snop  }
.Ltmp4:
0x3a: {  	_ = 	snop;
	(pc) =	sbr.rel @p1 .LBB2_3-.Ltmp4, $3  }
0x3b: {  	_ =	sdelay $0x1  }
0x3c: {  	[tilespmem:s17], [sflag:$0x1] =	stream.indirect_vreg.gather [hbm:s3], $0x80, v0, vm1, $0x38;
	[tilespmem:$0x10040] =	vst v63  }
0x3d: {  	s15 =	simm.s32 $0x1;
	p2 =	por $0x0, $0x0  }
0x3e: {  	s13 =	sshll.u32 s11, $0x7  }
0x3f: {  	s31 =	sshll.u32 s11, $0x4;
	s13 =	sand.u32 $0xFFFFFC00, s13  }
0x40: {  	_ =	swait.ge [sflag:s4], $0x8000;
	s11 =	sand.u32 $0x70, s31;
	s13 =	sadd.s32 s13, s2  }
0x41: {  	s14 =	sadd.s32 $0x2000, s12;
	[sflag:s4] =	ssyncset.done $0x0;
	s11 =	sadd.s32 s11, s13  }
0x42: {  	[sflag:s4] =	ssyncadd.s32 $0xFFFF8000;
	s13 =	simm.s32 $0x400;
	s15 =	sadd.s32 $0x0, s11  }
.LBB2_7:
0x43: {  	[hbm:s15] =	stream.linear.scatter [tilespmem:s12], [sflag:$0x3], $0x2000, $0x38;
	[tilespmem:$0x10040] =	vst v63  }
0x44: {  	s15 =	smov.u32 s13;
	s12 =	smov.u32 s14;
	p1 =	sne.s32 s13, $0xC00  }
.Ltmp5:
0x45: {  	s13 =	sadd.s32 $0x400, s13;
	(pc) =	sbr.rel @p1 .LBB2_7-.Ltmp5, $2  }
0x46: {  	_ =	sdelay $0x2  }
0x47: {  	s14 =	sadd.s32 $0x2000, s14;
	s15 =	sadd.s32 s15, s11  }
.Ltmp6:
0x48: {  	(pc) =	sbr.rel .LBB2_9-.Ltmp6, $2  }
0x49: {  	_ =	sdelay $0x2  }
0x4a: {  	[hbm:s15] =	stream.linear.scatter [tilespmem:s12], [sflag:$0x3], $0x2000, $0x38;
	[tilespmem:$0x10040] =	vst v63  }
.LBB2_10:
0x4b: {  	_ =	sfence.sel $0x180000  }
0x4c: {  	s2 =	simm.s32 $0x2;
	[bflag:$0x0] =	sbarrier.arrive $0xFFFF  }
0x4d: {  	s30 =	simm.s32 $0x3;
	[sflag:s2] =	ssyncpa.u1 $0x1  }
0x4e: {  	s31 =	simm.s32 $0x1;
	[sflag:s30] =	ssyncpa.u1 $0x1  }
0x4f: {  	[sflag:s31] =	ssyncpa.u1 $0x1  }
0x50: {  	p0 =	sne.s32 s1, $0x0;
	_ =	strace $0x90000059  }
0x51: {  	s0 =	sadd.s32 @!p0 $0x100000, s0;
	[bflag:$0x2] =	sbarrier.arrive $0xFFFF  }
0x52: {  	[sflag:s0] =	ssyncadd.tile.s32 @!p0 $0x1;
	_ =	shalt  }
.Lfunc_end2:
_tile_overlayer_lowered:
.L_overlay_start_2:
0x53: {  	(tag) =	ssettag $0x2  }
0x54: {  	s0 =	rddreg [dreg:$0x0];
	s2 =	stileid.u32  }
0x55: {  	s1 =	rddreg [dreg:$0x1];
	p0 =	sne.s32 s2, $0x0  }
0x56: {  	s3 =	rddreg [dreg:$0x2];
	[bflag:$0x3] =	sbarrier.arrive $0xFFFF;
	s2 =	simm.s32 @!p0 $0x1C01  }
0x57: {  	[timem:s3], [sflag:s2] =	dma.local @!p0 [hbm:s0], s1  }
0x58: {  	s0 =	simm.s32 @!p0 $0x1  }
0x59: {  	_ =	swait.ge @!p0 [sflag:s0], s1  }
0x5a: {  	s1 =	ssub.s32 @!p0 $0x0, s1;
	[sflag:s0] =	ssyncset.done @!p0 $0x0  }
0x5b: {  	[sflag:s0] =	ssyncadd.s32 @!p0 s1  }
0x5c: {  	[bflag:$0x3] =	sbarrier.arrive $0xFFFF  }
0x5d: {  	_ =	shalt  }

// kernel: gather_offload_async_start
scs
__scs_entry_jumppad:
0x0: {  	(pc) =	sbr.rel $0x88, $3  }
0x1: {  	(tag) =	ssettag $0x0;
	lr =	simm.s32 $0x1  }
0x2: {  	[smem:$0x3F9A] =	sst lr;
	_ =	strace $0xD0000000  }
0x3: {  	_ = 	snop  }
0x4: {  	_ = 	snop  }
0x5: {  	_ = 	snop  }
0x6: {  	_ = 	snop  }
0x7: {  	_ = 	snop  }
__scs_overlays_trampoline_lowered:
0x8: {  	[smem:$0x3FA9] =	sst s0  }
0x9: {  	[smem:$0x3FAA] =	sst s1  }
0xa: {  	[smem:$0x3FAB] =	sst s2  }
0xb: {  	[smem:$0x3FAC] =	sst s3  }
0xc: {  	[smem:$0x3FAD] =	sst s4  }
0xd: {  	[smem:$0x3FAE] =	sst s5  }
0xe: {  	[smem:$0x3FAF] =	sst s6  }
0xf: {  	[smem:$0x3FB0] =	sst s7  }
0x10: {  	[smem:$0x3FB1] =	sst s8  }
0x11: {  	[smem:$0x3FB2] =	sst s9;
	s0 =	simm.s32 @!p0 $0x0  }
0x12: {  	s1 =	sld [smem:$0x3F98];
	s0 =	simm.s32 @p0 $0x1  }
0x13: {  	[smem:$0x3FB3] =	sst s0;
	s0 =	simm.s32 @!p1 $0x0  }
0x14: {  	s2 =	sld [smem:$0x3F97];
	s0 =	simm.s32 @p1 $0x1  }
0x15: {  	[smem:$0x3FB4] =	sst s0;
	s0 =	simm.s32 @!p2 $0x0  }
0x16: {  	s3 =	sld [smem:$0x3FDB];
	s0 =	simm.s32 @p2 $0x1  }
0x17: {  	s4 =	simm.s32 $0x1BF5;
	[smem:$0x3FB6] =	sst s0  }
0x18: {  	s0 =	sld [smem:$0x3F99];
	_ =	swait.ge [sflag:s4], $0x0  }
0x19: {  	s7 =	sld [smem:$0x3F9A]  }
0x1a: {  	s8 =	sadd.s32 $0xFFFFE003, lr  }
0x1b: {  	s9 =	sadd.s32 $0xFFFFFEF7, lr;
	s5 =	simm.s32 $0xFFFFFFFF;
	p2 =	slt.u32 s8, $0xFFFFF086  }
0x1c: {  	p1 =	slt.u32 s9, $0xF7A;
	s5 =	simm.s32 @!p2 $0x0  }
0x1d: {  	s5 =	simm.s32 @p1 $0x1;
	p0 =	seq.s32 s7, s2  }
0x1e: {  	s7 =	smul.u32 @!p0 $0xF7A, s2;
	p2 =	seq.s32 @!p0 s5, $0x0  }
0x1f: {  	s9 =	smul.u32 $0xF7A, s1;
	s8 =	simm.s32 @!p0 $0x1BF5;
	p2 =	por !p2, p0  }
0x20: {  	[sflag:s8] =	ssyncset.s32 @!p0 $0xFFFFF086;
	s6 =	sadd.s32 @!p0 s3, s7;
	s7 =	simm.s32 @!p0 $0x108  }
0x21: {  	s3 =	sadd.s32 s3, s9;
	s6 =	sadd.s32 @!p0 $0x88, s6;
	s7 =	simm.s32 @p2 $0x1082  }
0x22: {  	[simem:s7], [sflag:s8] =	dma.local @!p0 [hbm:s6], $0xF7A  }
0x23: {  	s9 =	sor.u32 $0xD0000000, s2;
	s6 =	simm.s32 $0x108;
	_ =	swait.ge @!p0 [sflag:s8], $0x0  }
0x24: {  	s3 =	sadd.s32 $0x88, s3;
	s6 =	simm.s32 @!p1 $0x1082;
	[sflag:s4] =	ssyncset.s32 $0xFFFFF086  }
0x25: {  	[simem:s6], [sflag:s4] =	dma.local [hbm:s3], $0xF7A  }
0x26: {  	[smem:$0x3F9A] =	sst s1;
	(tag) =	ssettag s2;
	_ =	strace s9  }
0x27: {  	s1 =	sld [smem:$0x3FAA]  }
0x28: {  	s2 =	sld [smem:$0x3FAB]  }
0x29: {  	s4 =	sld [smem:$0x3FAD]  }
0x2a: {  	p0 =	seq.s32 s5, $0x0;
	s5 =	sld [smem:$0x3FAE]  }
0x2b: {  	s6 =	sld [smem:$0x3FAF]  }
0x2c: {  	s7 =	sld [smem:$0x3FB0]  }
0x2d: {  	s3 =	simm.s32 $0x108;
	s8 =	sld [smem:$0x3FB1]  }
0x2e: {  	s3 =	simm.s32 @!p0 $0x1082;
	s9 =	sld [smem:$0x3FB2]  }
0x2f: {  	lr =	sadd.s32 s0, s3;
	s0 =	sld [smem:$0x3FA9]  }
0x30: {  	s3 =	sld [smem:$0x3FAC]  }
0x31: {  	[smem:$0x3FB5] =	sst s10  }
0x32: {  	s10 =	sld [smem:$0x3FB3];
	_ =	sdelay $0x3  }
0x33: {  	p0 =	seq.s32 s10, $0x1;
	s10 =	sld [smem:$0x3FB5];
	_ =	sdelay $0x3  }
0x34: {  	[smem:$0x3FB5] =	sst s10  }
0x35: {  	s10 =	sld [smem:$0x3FB4];
	_ =	sdelay $0x3  }
0x36: {  	p1 =	seq.s32 s10, $0x1;
	s10 =	sld [smem:$0x3FB5];
	_ =	sdelay $0x3  }
0x37: {  	[smem:$0x3FB5] =	sst s10  }
0x38: {  	s10 =	sld [smem:$0x3FB6]  }
0x39: {  	_ = 	snop;
	(pc) =	sbr.ind lr, $3  }
0x3a: {  	_ = 	snop  }
0x3b: {  	_ = 	snop  }
0x3c: {  	p2 =	seq.s32 s10, $0x1;
	s10 =	sld [smem:$0x3FB5]  }
0x3d: {  	_ =	shalt  }
0x3e: {  	_ =	shalt  }
0x3f: {  	_ =	shalt  }
0x40: {  	_ =	shalt  }
0x41: {  	_ =	shalt  }
0x42: {  	_ =	shalt  }
0x43: {  	_ =	shalt  }
0x44: {  	_ =	shalt  }
0x45: {  	_ =	shalt  }
0x46: {  	_ =	shalt  }
0x47: {  	_ =	shalt  }
0x48: {  	_ =	shalt  }
0x49: {  	_ =	shalt  }
0x4a: {  	_ =	shalt  }
0x4b: {  	_ =	shalt  }
0x4c: {  	_ =	shalt  }
0x4d: {  	_ =	shalt  }
0x4e: {  	_ =	shalt  }
0x4f: {  	_ =	shalt  }
0x50: {  	_ =	shalt  }
0x51: {  	_ =	shalt  }
0x52: {  	_ =	shalt  }
0x53: {  	_ =	shalt  }
0x54: {  	_ =	shalt  }
0x55: {  	_ =	shalt  }
0x56: {  	_ =	shalt  }
0x57: {  	_ =	shalt  }
0x58: {  	_ =	shalt  }
0x59: {  	_ =	shalt  }
0x5a: {  	_ =	shalt  }
0x5b: {  	_ =	shalt  }
0x5c: {  	_ =	shalt  }
0x5d: {  	_ =	shalt  }
0x5e: {  	_ =	shalt  }
0x5f: {  	_ =	shalt  }
0x60: {  	_ =	shalt  }
0x61: {  	_ =	shalt  }
0x62: {  	_ =	shalt  }
0x63: {  	_ =	shalt  }
0x64: {  	_ =	shalt  }
0x65: {  	_ =	shalt  }
0x66: {  	_ =	shalt  }
0x67: {  	_ =	shalt  }
0x68: {  	_ =	shalt  }
0x69: {  	_ =	shalt  }
0x6a: {  	_ =	shalt  }
0x6b: {  	_ =	shalt  }
0x6c: {  	_ =	shalt  }
0x6d: {  	_ =	shalt  }
0x6e: {  	_ =	shalt  }
0x6f: {  	_ =	shalt  }
0x70: {  	_ =	shalt  }
0x71: {  	_ =	shalt  }
0x72: {  	_ =	shalt  }
0x73: {  	_ =	shalt  }
0x74: {  	_ =	shalt  }
0x75: {  	_ =	shalt  }
0x76: {  	_ =	shalt  }
0x77: {  	_ =	shalt  }
0x78: {  	_ =	shalt  }
0x79: {  	_ =	shalt  }
0x7a: {  	_ =	shalt  }
0x7b: {  	_ =	shalt  }
0x7c: {  	_ =	shalt  }
0x7d: {  	_ =	shalt  }
0x7e: {  	_ =	shalt  }
0x7f: {  	_ =	shalt  }
0x80: {  	_ =	shalt  }
0x81: {  	_ =	shalt  }
0x82: {  	_ =	shalt  }
0x83: {  	_ =	shalt  }
0x84: {  	_ =	shalt  }
0x85: {  	_ =	shalt  }
0x86: {  	_ =	shalt  }
0x87: {  	_ =	shalt  }
.Lfunc_end0:
.L_simem_size_0:
called_computation.3_lowered:
.L_overlay_start_0:
0x88: {  	s2 =	sld [smem:$0x3FD9]  }
0x89: {  	s3 =	sld [smem:$0x3FFE];
	_ =	sdelay $0x1  }
0x8a: {  	s1 =	srdreg.scid  }
0x8b: {  	s0 =	sand.u32 $0x1, s1  }
0x8c: {  	s16 =	sshll.u32 s0, $0xA;
	s2 =	sadd.s32 s3, s2  }
0x8d: {  	s2 =	sadd.s32 s2, s16  }
0x8e: {  	[smem:$0x3FC1] =	sst s2  }
0x8f: {  	_ = 	snop  }
0x90: {  	(tm) =	ssettm $0x1  }
0x91: {  	s17 =	sld [smem:$0x3FFB];
	_ =	sdelay $0x3  }
0x92: {  	_ =	strace s17  }
0x93: {  	s2 =	sld [smem:$0x3FFC];
	_ =	sdelay $0x3  }
0x94: {  	_ =	strace s2  }
0x95: {  	s2 =	sld [smem:$0x3FFD];
	_ =	sdelay $0x3  }
0x96: {  	_ =	strace s2  }
0x97: {  	_ =	strace $0x8FFFFFFF  }
0x98: {  	s18 =	sld [smem:$0x3FDB];
	_ =	sdelay $0x1  }
0x99: {  	s19 =	simm.s32 $_scs_section_size  }
0x9a: {  	s4 =	simm.s32 $_size__tile_overlayer_lowered;
	s5 =	simm.s32 $_tile_overlayer_lowered  }
0x9b: {  	s22 =	simm.s32 $0x1BFF;
	s21 =	sshll.u32 s5, $0x1;
	s2 =	sadd.s32 s19, s18  }
0x9c: {  	s6 =	simm.s32 $0x0;
	s20 =	sshll.u32 s4, $0x1;
	s4 =	sadd.s32 s21, s2  }
0x9d: {  	[timem:s6], [sflag:s22] =	dma.local [hbm:s4], s20  }
0x9e: {  	_ =	swait.ge [sflag:s22], s20  }
0x9f: {  	s3 =	ssub.s32 $0x0, s20;
	[sflag:s22] =	ssyncset.done $0x0  }
0xa0: {  	[sflag:s22] =	ssyncadd.s32 s3;
	_ =	sdelay $0x1  }
0xa1: {  	s23 =	simm.s32 $0x1B8B  }
0xa2: {  	_ =	swait.ge [sflag:s23], $0x1  }
0xa3: {  	[sflag:s23] =	ssyncset.done $0x0  }
0xa4: {  	s25 =	simm.s32 $0x1B8E;
	s24 =	sld [smem:$0x3FFE];
	[sflag:s23] =	ssyncadd.s32 $0xFFFFFFFF  }
0xa5: {  	s26 =	simm.s32 $execute0_lowered;
	[smem:$0x3FD2] =	sst s25  }
0xa6: {  	s4 =	sshll.u32 s26, $0x1;
	_ =	strace $0x80000046;
	[dreg:$0x1] =	wrdreg $0xFFFFFFFF  }
0xa7: {  	s28 =	simm.s32 $_size_execute0_lowered;
	s2 =	sadd.s32 s2, s4;
	[dreg:$0x0] =	wrdreg $0x0  }
0xa8: {  	s4 =	sshll.u32 s28, $0x1;
	[dreg:$0x2] =	wrdreg s2  }
0xa9: {  	[dreg:$0x3] =	wrdreg s4  }
0xaa: {  	[dreg:$0x4] =	wrdreg $0xC0  }
0xab: {  	_ =	task [dreg:s6], $0x5FFFF  }
0xac: {  	[dreg:$0x1] =	wrdreg $0xFFFFFFFF  }
0xad: {  	[dreg:$0x0] =	wrdreg $0x60  }
0xae: {  	[dreg:$0x2] =	wrdreg s24  }
0xaf: {  	[dreg:$0x3] =	wrdreg $0xA  }
0xb0: {  	_ =	task.clear_ibuf [dreg:s6], $0x4FFFF;
	_ =	strace $0x90000046  }
0xb1: {  	s29 =	simm.s32 $0xA;
	_ =	strace $0x80000048  }
0xb2: {  	_ =	swait.ge [sflag:s29], $0x1  }
0xb3: {  	[sflag:s29] =	ssyncadd.s32 $0xFFFFFFFF  }
0xb4: {  	_ =	strace $0x90000048  }
0xb5: {  	_ =	sfence  }
0xb6: {  	s30 =	sld [smem:$0x0];
	_ =	sdelay $0x2  }
0xb7: {  	s31 =	sshll.u32 s1, $0xD;
	s1 =	sshrl.u32 s1, $0x2  }
0xb8: {  	s3 =	sand.u32 $0x4000, s31;
	s1 =	sadd.s32 s1, s30  }
0xb9: {  	s0 =	sor.u32 s3, s0;
	s1 =	sshll.u32 s1, $0x11  }
0xba: {  	s0 =	sor.u32 s1, s0  }
0xbb: {  	s0 =	sadd.s32 $0x8F2B, s0  }
0xbc: {  	[sflag:s0] =	ssyncadd.remote.s32 $0x1  }
0xbd: {  	_ =	sfence.sel $0xFFFF  }
0xbe: {  	[dreg:$0x0] =	wrdreg $0xFFFFFFFF;
	(pc) =	sbr.abs _section_cstart, $3  }
0xbf: {  	[dreg:$0x1] =	wrdreg $0xFFFFFFFF  }
0xc0: {  	_ =	task.clear_ibuf [dreg:s6], $0x2FFFF;
	_ =	strace $0x9FFFFFFF  }
0xc1: {  	(tm) =	ssettm $0x7FFFFFFF  }
tec
execute0_lowered:
.L_overlay_start_1:
0x0: {  	(tag) =	ssettag $0x1  }
0x1: {  	s0 =	srdreg.scid;
	s5 =	rddreg [dreg:$0x0]  }
0x2: {  	s1 =	stileid.u32;
	s6 =	simm.s32 $0x1;
	s9 =	simm.s32 $0x1  }
0x3: {  	s10 =	simm.s32 $0x3;
	s13 =	simm.s32 $0x0;
	s2 =	sshll.u32 s0, $0x8  }
0x4: {  	s12 =	simm.s32 $0x0;
	s3 =	sshll.u32 s1, $0x9;
	s2 =	sand.u32 $0x100, s2  }
0x5: {  	s0 =	rddreg [dreg:$0x1];
	_ =	strace $0x80000047;
	s2 =	sor.u32 s3, s2  }
0x6: {  	s4 =	sadd.s32 $0x24000, s5;
	[sflag:s6] =	ssyncpa.u1 $0x0;
	s8 =	ssub.s32 $0x4000, s2  }
.Ltmp0:
0x7: {  	s3 =	sadd.s32 $0x24800, s5;
	s7 =	sand.u32 $0x1F00, s8;
	(pc) =	sbr.rel .LBB2_1-.Ltmp0, $4  }
0x8: {  	s5 =	sadd.s32 $0x64800, s5;
	s11 =	smov.u32 s2;
	p0 =	sne.s32 s7, $0x0  }
0x9: {  	s8 =	sshrl.u32 s8, $0xD;
	s7 =	simm.s32 $0x2;
	s9 =	simm.s32 @!p0 $0x0  }
0xa: {  	[sflag:s7] =	ssyncpa.u1 $0x0;
	p0 =	por $0x0, $0x0;
	s8 =	sadd.s32 s9, s8  }
0xb: {  	vm0 =	vmmov $0xffff;
	[sflag:s10] =	ssyncpa.u1 $0x0;
	s10 =	simm.s32 $0x0;
	s9 =	sadd.s32 $0x1, s8  }
.LBB2_4:
0xc: {  	v5 =	vshrl.u32 v1, $0xE;
	v6 =	vshll.u32 v1, $0x7  }
0xd: {  	vm1 =	veq.s32 v1, $0x80000000;
	v58 =	vand.u32 $0x7, v5;
	v59 =	vand.u32 $0x1FFF80, v6  }
0xe: {  	v1 =	vsel vm1, $0xFFFFFFFF, v58;
	v5 =	vsel vm1, $0xFFFFFF80, v59  }
0xf: {  	v3 =	vor.u32 v4, v3;
	v60 =	vand.u32 $0xFFFFFC00, v5;
	v61 =	vand.u32 $0xFFFFFC00, v1  }
0x10: {  	v2 =	vor.u32 v2, v3;
	v63 =	vand.u32 $0x380, v5;
	v62 =	vadd.s32 v61, v60  }
0x11: {  	v1 =	vand.u32 $0x7F, v1;
	v3 =	vor.u32 v63, v62  }
0x12: {  	v1 =	vor.u32 v1, v3  }
0x13: {  	[tilespmem:s15], [sflag:$0x1] =	stream.indirect_vreg.gather [hbm4b:s3+s10], $0x1, v0, vm0, $0x4038;
	[tilespmem:$0x400] =	vst v63  }
0x14: {  	(ifvalue) =	ssetifvalue $0x7FFFFFFF  }
0x15: {  	[tilespmem:s16], [sflag:$0x1] =	stream.indirect_vreg.gather [hbm4b:s3+s10], $0x1, v2, vm0, $0x4038;
	[tilespmem:$0x400] =	vst v63  }
0x16: {  	s29 =	sadd.s32 $0x10, s16;
	(ifvalue) =	ssetifvalue $0x7FFFFFFF  }
0x17: {  	[tilespmem:s29], [sflag:$0x1] =	stream.indirect_vreg.gather [hbm4b:s3+s10], $0x1, v1, vm0, $0x4038;
	[tilespmem:$0x400] =	vst v63  }
0x18: {  	_ =	swait.ge [sflag:s6], $0x100  }
0x19: {  	s30 =	sshrl.u32 s13, $0x3;
	[sflag:s6] =	ssyncset.done $0x0  }
0x1a: {  	s31 =	sand.u32 $0x7, s13;
	s15 =	sadd.s32 s5, s30;
	[sflag:s6] =	ssyncadd.s32 $0xFFFFFF00  }
0x1b: {  	[hbm4b:s15+s31] =	stream.linear.scatter [tilespmem:s14], [sflag:$0x3], $0x100, $0x38;
	[tilespmem:$0x400] =	vst v63  }
.LBB2_5:
0x1c: {  	s15 =	sadd.s32 $0x2000, s11  }
0x1d: {  	p2 =	sgt.s32 s15, $0x3FFF  }
0x1e: {  	s15 =	smov.u32 @p2 s2;
	p2 =	sne.s32 s12, s9  }
.Ltmp1:
0x1f: {  	p1 =	slt.u32 s12, $0x2;
	(pc) =	sbr.rel @!p2 .LBB2_6-.Ltmp1, $4  }
0x20: {  	s14 =	simm.s32 @!p1 $0x3  }
0x21: {  	s16 =	sadd.s32 $0x1, s12;
	_ =	swait.ge @!p1 [sflag:s14], $0x100  }
0x22: {  	s13 =	smov.u32 s11;
	p0 =	por !p0, !p0;
	[sflag:s14] =	ssyncset.done @!p1 $0x0  }
0x23: {  	s12 =	smov.u32 s16;
	s11 =	smov.u32 s15;
	[sflag:s14] =	ssyncadd.s32 @!p1 $0xFFFFFF00  }
.LBB2_1:
0x24: {  	p1 =	sge.u32 s12, s8  }
0x25: {  	s14 =	sxor.u32 @!p1 $0xFFFFFFFF, s12  }
0x26: {  	s31 =	sadd.s32 $0xFFFFFFFF, s12;
	s15 =	sshrl.u32 @!p1 s11, $0x3;
	s14 =	sshll.u32 @!p1 s14, $0x8  }
0x27: {  	s16 =	sand.u32 @!p1 $0x7, s11;
	s15 =	sadd.s32 @!p1 s4, s15;
	s14 =	sand.u32 @!p1 $0x100, s14  }
0x28: {  	[tilespmem:s14], [sflag:$0x2] =	stream.linear.gather @!p1 [hbm4b:s15+s16], $0x100, $0x38;
	[tilespmem:$0x400] =	vst v63  }
0x29: {  	p1 =	sge.u32 s31, s8  }
.Ltmp2:
0x2a: {  	_ = 	snop;
	(pc) =	sbr.rel @p1 .LBB2_5-.Ltmp2, $1  }
0x2b: {  	_ =	sdelay $0x3  }
0x2c: {  	s14 =	simm.s32 $0x1  }
0x2d: {  	_ =	swait.ge [sflag:s7], $0x100;
	s14 =	simm.s32 @!p0 $0x0  }
0x2e: {  	[sflag:s7] =	ssyncset.done $0x0;
	s14 =	sshll.u32 s14, $0x8  }
0x2f: {  	[sflag:s7] =	ssyncadd.s32 $0xFFFFFF00;
	(ifvalue) =	ssetifvalue $0x7FFFFFFF;
	v0 =	vld.msk [tilespmem:s14+$0x0 ss:$0x1], $0xffff;
	_ =	sdelay $0x4  }
0x30: {  	s15 =	sadd.s32 $0x10, s14;
	v2 =	vshrl.u32 v0, $0xE;
	v3 =	vshll.u32 v0, $0x7  }
0x31: {  	v1 =	vld.msk [tilespmem:s15+$0x0 ss:$0x1], $0xffff;
	vm1 =	veq.s32 v0, $0x80000000;
	v0 =	vand.u32 $0x7, v2;
	v2 =	vand.u32 $0x1FFF80, v3  }
0x32: {  	v0 =	vsel vm1, $0xFFFFFFFF, v0;
	v2 =	vsel vm1, $0xFFFFFF80, v2  }
0x33: {  	v3 =	vand.u32 $0xFFFFFC00, v2;
	v4 =	vand.u32 $0xFFFFFC00, v0  }
0x34: {  	v2 =	vand.u32 $0x380, v2;
	v3 =	vadd.s32 v4, v3  }
0x35: {  	v0 =	vand.u32 $0x7F, v0;
	v2 =	vor.u32 v2, v3  }
0x36: {  	v5 =	vshll.u32 v1, $0x7;
	v4 =	vshrl.u32 v1, $0xE;
	v0 =	vor.u32 v0, v2  }
0x37: {  	s16 =	sshll.u32 s12, $0x8;
	vm1 =	veq.s32 v1, $0x80000000;
	v1 =	vand.u32 $0x7, v4;
	v4 =	vand.u32 $0x1FFF80, v5  }
0x38: {  	s16 =	sand.u32 $0x100, s16;
	s18 =	sadd.s32 $0x10, s15;
	v3 =	vsel vm1, $0xFFFFFFFF, v1;
	v4 =	vsel vm1, $0xFFFFFF80, v4  }
0x39: {  	s17 =	simm.s32 $0x20;
	s15 =	sor.u32 $0x200, s14;
	s14 =	sor.u32 $0x200, s16;
	v1 =	vld.msk [tilespmem:s18+$0x0 ss:$0x1], $0xffff;
	v5 =	vand.u32 $0xFFFFFC00, v4;
	v6 =	vand.u32 $0xFFFFFC00, v3  }
0x3a: {  	s16 =	sadd.s32 $0x10, s15;
	s18 =	sadd.s32 $0x10, s18;
	(ifvalue) =	ssetifvalue $0x7FFFFFFF;
	v2 =	vand.u32 $0x7F, v3;
	v4 =	vand.u32 $0x380, v4;
	v3 =	vadd.s32 v6, v5  }
.LBB2_3:
0x3b: {  	[tilespmem:s15], [sflag:$0x1] =	stream.indirect_vreg.gather [hbm4b:s3+s10], $0x1, v0, vm0, $0x4038;
	[tilespmem:$0x400] =	vst v63  }
0x3c: {  	s17 =	sadd.s32 $0x10, s17  }
0x3d: {  	v3 =	vor.u32 v4, v3;
	p1 =	slt.u32 s17, $0xF0  }
.Ltmp3:
0x3e: {  	v4 =	vshrl.u32 v1, $0xE;
	v5 =	vshll.u32 v1, $0x7;
	s15 =	smov.u32 s16;
	v0 =	vor.u32 v2, v3;
	v2 =	vmovc v1;
	v1 =	vld.msk [tilespmem:s18+$0x0 ss:$0x1], $0xffff;
	(pc) =	sbr.rel @p1 .LBB2_3-.Ltmp3, $4  }
0x3f: {  	v3 =	vand.u32 $0x1FFF80, v5;
	vm1 =	veq.s32 v2, $0x80000000;
	v2 =	vand.u32 $0x7, v4  }
0x40: {  	v4 =	vsel vm1, $0xFFFFFFFF, v2;
	v5 =	vsel vm1, $0xFFFFFF80, v3  }
0x41: {  	v2 =	vand.u32 $0x7F, v4;
	v3 =	vand.u32 $0xFFFFFC00, v5;
	v4 =	vand.u32 $0xFFFFFC00, v4  }
0x42: {  	s16 =	sadd.s32 $0x10, s16;
	s18 =	sadd.s32 $0x10, s18;
	v3 =	vadd.s32 v4, v3;
	v4 =	vand.u32 $0x380, v5;
	(ifvalue) =	ssetifvalue $0x7FFFFFFF  }
.Ltmp4:
0x43: {  	_ = 	snop;
	(pc) =	sbr.rel .LBB2_4-.Ltmp4, $1  }
0x44: {  	_ =	sdelay $0x3  }
.LBB2_6:
0x45: {  	_ =	sfence.sel $0x180000  }
0x46: {  	s2 =	simm.s32 $0x2;
	[bflag:$0x0] =	sbarrier.arrive $0xFFFF  }
0x47: {  	s30 =	simm.s32 $0x3;
	[sflag:s2] =	ssyncpa.u1 $0x1  }
0x48: {  	s31 =	simm.s32 $0x1;
	[sflag:s30] =	ssyncpa.u1 $0x1  }
0x49: {  	[sflag:s31] =	ssyncpa.u1 $0x1  }
0x4a: {  	p0 =	sne.s32 s1, $0x0;
	_ =	strace $0x90000047  }
0x4b: {  	s0 =	sadd.s32 @!p0 $0x100000, s0;
	[bflag:$0x2] =	sbarrier.arrive $0xFFFF  }
0x4c: {  	[sflag:s0] =	ssyncadd.tile.s32 @!p0 $0x1;
	_ =	shalt  }
.Lfunc_end2:
_tile_overlayer_lowered:
.L_overlay_start_2:
0x4d: {  	(tag) =	ssettag $0x2  }
0x4e: {  	s0 =	rddreg [dreg:$0x0];
	s2 =	stileid.u32  }
0x4f: {  	s1 =	rddreg [dreg:$0x1];
	p0 =	sne.s32 s2, $0x0  }
0x50: {  	s3 =	rddreg [dreg:$0x2];
	[bflag:$0x3] =	sbarrier.arrive $0xFFFF;
	s2 =	simm.s32 @!p0 $0x1C01  }
0x51: {  	[timem:s3], [sflag:s2] =	dma.local @!p0 [hbm:s0], s1  }
0x52: {  	s0 =	simm.s32 @!p0 $0x1  }
0x53: {  	_ =	swait.ge @!p0 [sflag:s0], s1  }
0x54: {  	s1 =	ssub.s32 @!p0 $0x0, s1;
	[sflag:s0] =	ssyncset.done @!p0 $0x0  }
0x55: {  	[sflag:s0] =	ssyncadd.s32 @!p0 s1  }
0x56: {  	[bflag:$0x3] =	sbarrier.arrive $0xFFFF  }
0x57: {  	_ =	shalt  }

// kernel: kernel.4.cloned.1.call-start
scs
__scs_entry_jumppad:
0x0: {  	(pc) =	sbr.rel $0x88, $3  }
0x1: {  	(tag) =	ssettag $0x0;
	lr =	simm.s32 $0x1  }
0x2: {  	[smem:$0x3F9A] =	sst lr;
	_ =	strace $0xD0000000  }
0x3: {  	_ = 	snop  }
0x4: {  	_ = 	snop  }
0x5: {  	_ = 	snop  }
0x6: {  	_ = 	snop  }
0x7: {  	_ = 	snop  }
__scs_overlays_trampoline_lowered:
0x8: {  	[smem:$0x3FA9] =	sst s0  }
0x9: {  	[smem:$0x3FAA] =	sst s1  }
0xa: {  	[smem:$0x3FAB] =	sst s2  }
0xb: {  	[smem:$0x3FAC] =	sst s3  }
0xc: {  	[smem:$0x3FAD] =	sst s4  }
0xd: {  	[smem:$0x3FAE] =	sst s5  }
0xe: {  	[smem:$0x3FAF] =	sst s6  }
0xf: {  	[smem:$0x3FB0] =	sst s7  }
0x10: {  	[smem:$0x3FB1] =	sst s8  }
0x11: {  	[smem:$0x3FB2] =	sst s9;
	s0 =	simm.s32 @!p0 $0x0  }
0x12: {  	s1 =	sld [smem:$0x3F98];
	s0 =	simm.s32 @p0 $0x1  }
0x13: {  	[smem:$0x3FB3] =	sst s0;
	s0 =	simm.s32 @!p1 $0x0  }
0x14: {  	s2 =	sld [smem:$0x3F97];
	s0 =	simm.s32 @p1 $0x1  }
0x15: {  	[smem:$0x3FB4] =	sst s0;
	s0 =	simm.s32 @!p2 $0x0  }
0x16: {  	s3 =	sld [smem:$0x3FDB];
	s0 =	simm.s32 @p2 $0x1  }
0x17: {  	s4 =	simm.s32 $0x1BF5;
	[smem:$0x3FB6] =	sst s0  }
0x18: {  	s0 =	sld [smem:$0x3F99];
	_ =	swait.ge [sflag:s4], $0x0  }
0x19: {  	s7 =	sld [smem:$0x3F9A]  }
0x1a: {  	s8 =	sadd.s32 $0xFFFFE003, lr  }
0x1b: {  	s9 =	sadd.s32 $0xFFFFFEF7, lr;
	s5 =	simm.s32 $0xFFFFFFFF;
	p2 =	slt.u32 s8, $0xFFFFF086  }
0x1c: {  	p1 =	slt.u32 s9, $0xF7A;
	s5 =	simm.s32 @!p2 $0x0  }
0x1d: {  	s5 =	simm.s32 @p1 $0x1;
	p0 =	seq.s32 s7, s2  }
0x1e: {  	s7 =	smul.u32 @!p0 $0xF7A, s2;
	p2 =	seq.s32 @!p0 s5, $0x0  }
0x1f: {  	s9 =	smul.u32 $0xF7A, s1;
	s8 =	simm.s32 @!p0 $0x1BF5;
	p2 =	por !p2, p0  }
0x20: {  	[sflag:s8] =	ssyncset.s32 @!p0 $0xFFFFF086;
	s6 =	sadd.s32 @!p0 s3, s7;
	s7 =	simm.s32 @!p0 $0x108  }
0x21: {  	s3 =	sadd.s32 s3, s9;
	s6 =	sadd.s32 @!p0 $0x88, s6;
	s7 =	simm.s32 @p2 $0x1082  }
0x22: {  	[simem:s7], [sflag:s8] =	dma.local @!p0 [hbm:s6], $0xF7A  }
0x23: {  	s9 =	sor.u32 $0xD0000000, s2;
	s6 =	simm.s32 $0x108;
	_ =	swait.ge @!p0 [sflag:s8], $0x0  }
0x24: {  	s3 =	sadd.s32 $0x88, s3;
	s6 =	simm.s32 @!p1 $0x1082;
	[sflag:s4] =	ssyncset.s32 $0xFFFFF086  }
0x25: {  	[simem:s6], [sflag:s4] =	dma.local [hbm:s3], $0xF7A  }
0x26: {  	[smem:$0x3F9A] =	sst s1;
	(tag) =	ssettag s2;
	_ =	strace s9  }
0x27: {  	s1 =	sld [smem:$0x3FAA]  }
0x28: {  	s2 =	sld [smem:$0x3FAB]  }
0x29: {  	s4 =	sld [smem:$0x3FAD]  }
0x2a: {  	p0 =	seq.s32 s5, $0x0;
	s5 =	sld [smem:$0x3FAE]  }
0x2b: {  	s6 =	sld [smem:$0x3FAF]  }
0x2c: {  	s7 =	sld [smem:$0x3FB0]  }
0x2d: {  	s3 =	simm.s32 $0x108;
	s8 =	sld [smem:$0x3FB1]  }
0x2e: {  	s3 =	simm.s32 @!p0 $0x1082;
	s9 =	sld [smem:$0x3FB2]  }
0x2f: {  	lr =	sadd.s32 s0, s3;
	s0 =	sld [smem:$0x3FA9]  }
0x30: {  	s3 =	sld [smem:$0x3FAC]  }
0x31: {  	[smem:$0x3FB5] =	sst s10  }
0x32: {  	s10 =	sld [smem:$0x3FB3];
	_ =	sdelay $0x3  }
0x33: {  	p0 =	seq.s32 s10, $0x1;
	s10 =	sld [smem:$0x3FB5];
	_ =	sdelay $0x3  }
0x34: {  	[smem:$0x3FB5] =	sst s10  }
0x35: {  	s10 =	sld [smem:$0x3FB4];
	_ =	sdelay $0x3  }
0x36: {  	p1 =	seq.s32 s10, $0x1;
	s10 =	sld [smem:$0x3FB5];
	_ =	sdelay $0x3  }
0x37: {  	[smem:$0x3FB5] =	sst s10  }
0x38: {  	s10 =	sld [smem:$0x3FB6]  }
0x39: {  	_ = 	snop;
	(pc) =	sbr.ind lr, $3  }
0x3a: {  	_ = 	snop  }
0x3b: {  	_ = 	snop  }
0x3c: {  	p2 =	seq.s32 s10, $0x1;
	s10 =	sld [smem:$0x3FB5]  }
0x3d: {  	_ =	shalt  }
0x3e: {  	_ =	shalt  }
0x3f: {  	_ =	shalt  }
0x40: {  	_ =	shalt  }
0x41: {  	_ =	shalt  }
0x42: {  	_ =	shalt  }
0x43: {  	_ =	shalt  }
0x44: {  	_ =	shalt  }
0x45: {  	_ =	shalt  }
0x46: {  	_ =	shalt  }
0x47: {  	_ =	shalt  }
0x48: {  	_ =	shalt  }
0x49: {  	_ =	shalt  }
0x4a: {  	_ =	shalt  }
0x4b: {  	_ =	shalt  }
0x4c: {  	_ =	shalt  }
0x4d: {  	_ =	shalt  }
0x4e: {  	_ =	shalt  }
0x4f: {  	_ =	shalt  }
0x50: {  	_ =	shalt  }
0x51: {  	_ =	shalt  }
0x52: {  	_ =	shalt  }
0x53: {  	_ =	shalt  }
0x54: {  	_ =	shalt  }
0x55: {  	_ =	shalt  }
0x56: {  	_ =	shalt  }
0x57: {  	_ =	shalt  }
0x58: {  	_ =	shalt  }
0x59: {  	_ =	shalt  }
0x5a: {  	_ =	shalt  }
0x5b: {  	_ =	shalt  }
0x5c: {  	_ =	shalt  }
0x5d: {  	_ =	shalt  }
0x5e: {  	_ =	shalt  }
0x5f: {  	_ =	shalt  }
0x60: {  	_ =	shalt  }
0x61: {  	_ =	shalt  }
0x62: {  	_ =	shalt  }
0x63: {  	_ =	shalt  }
0x64: {  	_ =	shalt  }
0x65: {  	_ =	shalt  }
0x66: {  	_ =	shalt  }
0x67: {  	_ =	shalt  }
0x68: {  	_ =	shalt  }
0x69: {  	_ =	shalt  }
0x6a: {  	_ =	shalt  }
0x6b: {  	_ =	shalt  }
0x6c: {  	_ =	shalt  }
0x6d: {  	_ =	shalt  }
0x6e: {  	_ =	shalt  }
0x6f: {  	_ =	shalt  }
0x70: {  	_ =	shalt  }
0x71: {  	_ =	shalt  }
0x72: {  	_ =	shalt  }
0x73: {  	_ =	shalt  }
0x74: {  	_ =	shalt  }
0x75: {  	_ =	shalt  }
0x76: {  	_ =	shalt  }
0x77: {  	_ =	shalt  }
0x78: {  	_ =	shalt  }
0x79: {  	_ =	shalt  }
0x7a: {  	_ =	shalt  }
0x7b: {  	_ =	shalt  }
0x7c: {  	_ =	shalt  }
0x7d: {  	_ =	shalt  }
0x7e: {  	_ =	shalt  }
0x7f: {  	_ =	shalt  }
0x80: {  	_ =	shalt  }
0x81: {  	_ =	shalt  }
0x82: {  	_ =	shalt  }
0x83: {  	_ =	shalt  }
0x84: {  	_ =	shalt  }
0x85: {  	_ =	shalt  }
0x86: {  	_ =	shalt  }
0x87: {  	_ =	shalt  }
.Lfunc_end0:
.L_simem_size_0:
called_computation.6_lowered:
.L_overlay_start_0:
0x88: {  	s2 =	sld [smem:$0x3FD9]  }
0x89: {  	s3 =	sld [smem:$0x3FFE];
	_ =	sdelay $0x1  }
0x8a: {  	s1 =	srdreg.scid  }
0x8b: {  	s0 =	sand.u32 $0x1, s1  }
0x8c: {  	s17 =	sshll.u32 s0, $0xA;
	s2 =	sadd.s32 s3, s2  }
0x8d: {  	s2 =	sadd.s32 s2, s17  }
0x8e: {  	[smem:$0x3FC1] =	sst s2  }
0x8f: {  	_ = 	snop  }
0x90: {  	s2 =	sld [smem:$0x3FD0];
	(tm) =	ssettm $0x1  }
0x91: {  	s18 =	sld [smem:$0x3FFB];
	_ =	sdelay $0x3  }
0x92: {  	_ =	strace s18  }
0x93: {  	s3 =	sld [smem:$0x3FFC];
	_ =	sdelay $0x3  }
0x94: {  	_ =	strace s3  }
0x95: {  	s3 =	sld [smem:$0x3FFD];
	_ =	sdelay $0x3  }
0x96: {  	_ =	strace s3  }
0x97: {  	_ =	strace $0x8FFFFFFF  }
0x98: {  	s19 =	sld [smem:$0x3FDB];
	_ =	sdelay $0x1  }
0x99: {  	s4 =	simm.s32 $_scs_section_size  }
0x9a: {  	s5 =	simm.s32 $_size__tile_overlayer_lowered;
	s6 =	simm.s32 $_tile_overlayer_lowered  }
0x9b: {  	s22 =	simm.s32 $0x1BFF;
	s21 =	sshll.u32 s6, $0x1;
	s3 =	sadd.s32 s4, s19  }
0x9c: {  	s7 =	simm.s32 $0x0;
	s20 =	sshll.u32 s5, $0x1;
	s5 =	sadd.s32 s21, s3  }
0x9d: {  	[timem:s7], [sflag:s22] =	dma.local [hbm:s5], s20  }
0x9e: {  	_ =	swait.ge [sflag:s22], s20  }
0x9f: {  	s4 =	ssub.s32 $0x0, s20;
	[sflag:s22] =	ssyncset.done $0x0  }
0xa0: {  	[sflag:s22] =	ssyncadd.s32 s4;
	_ =	sdelay $0x1  }
0xa1: {  	s23 =	simm.s32 $0x1B8B  }
0xa2: {  	_ =	swait.ge [sflag:s23], $0x1  }
0xa3: {  	[sflag:s23] =	ssyncset.done $0x0  }
0xa4: {  	s25 =	simm.s32 $0x1B8E;
	s24 =	sld [smem:$0x3FFE];
	[sflag:s23] =	ssyncadd.s32 $0xFFFFFFFF  }
0xa5: {  	s26 =	simm.s32 $execute0_lowered;
	[smem:$0x3FD2] =	sst s25  }
0xa6: {  	s5 =	sshll.u32 s26, $0x1;
	_ =	strace $0x8000004C;
	[dreg:$0x1] =	wrdreg $0xFFFFFFFF  }
0xa7: {  	s28 =	simm.s32 $_size_execute0_lowered;
	s3 =	sadd.s32 s3, s5;
	[dreg:$0x0] =	wrdreg $0x0  }
0xa8: {  	s5 =	sshll.u32 s28, $0x1;
	[dreg:$0x2] =	wrdreg s3  }
0xa9: {  	[dreg:$0x3] =	wrdreg s5  }
0xaa: {  	[dreg:$0x4] =	wrdreg $0xC0  }
0xab: {  	_ =	task [dreg:s7], $0x5FFFF  }
0xac: {  	[dreg:$0x1] =	wrdreg $0xFFFFFFFF  }
0xad: {  	[dreg:$0x0] =	wrdreg $0x60  }
0xae: {  	[dreg:$0x2] =	wrdreg s2  }
0xaf: {  	[dreg:$0x3] =	wrdreg s24  }
0xb0: {  	[dreg:$0x4] =	wrdreg $0x9  }
0xb1: {  	_ =	task.clear_ibuf [dreg:s7], $0x5FFFF;
	_ =	strace $0x9000004C  }
0xb2: {  	s29 =	simm.s32 $0x9;
	_ =	strace $0x8000004E  }
0xb3: {  	_ =	swait.ge [sflag:s29], $0x1  }
0xb4: {  	[sflag:s29] =	ssyncadd.s32 $0xFFFFFFFF  }
0xb5: {  	_ =	strace $0x9000004E  }
0xb6: {  	_ =	sfence  }
0xb7: {  	s30 =	sld [smem:$0x0];
	_ =	sdelay $0x2  }
0xb8: {  	s31 =	sshll.u32 s1, $0xD;
	s1 =	sshrl.u32 s1, $0x2  }
0xb9: {  	s3 =	sand.u32 $0x4000, s31;
	s1 =	sadd.s32 s1, s30  }
0xba: {  	s0 =	sor.u32 s3, s0;
	s1 =	sshll.u32 s1, $0x11  }
0xbb: {  	s0 =	sor.u32 s1, s0  }
0xbc: {  	s0 =	sadd.s32 $0x8F2B, s0  }
0xbd: {  	[sflag:s0] =	ssyncadd.remote.s32 $0x1  }
0xbe: {  	_ =	sfence.sel $0xFFFF  }
0xbf: {  	[dreg:$0x0] =	wrdreg $0xFFFFFFFF;
	(pc) =	sbr.abs _section_cstart, $3  }
0xc0: {  	[dreg:$0x1] =	wrdreg $0xFFFFFFFF  }
0xc1: {  	_ =	task.clear_ibuf [dreg:s7], $0x2FFFF;
	_ =	strace $0x9FFFFFFF  }
0xc2: {  	(tm) =	ssettm $0x7FFFFFFF  }
0xc3: {  	_ =	shalt  }
tec
execute0_lowered:
.L_overlay_start_1:
0x0: {  	(tag) =	ssettag $0x1  }
0x1: {  	s1 =	srdreg.scid  }
0x2: {  	s18 =	rddreg [dreg:$0x0];
	s0 =	stileid.u32;
	s21 =	sand.u32 $0x1, s1  }
0x3: {  	s9 =	rddreg [dreg:$0x1];
	s3 =	sshll.u32 s0, $0x9;
	s4 =	sshll.u32 s21, $0x8  }
0x4: {  	s2 =	simm.s32 $0x0;
	s1 =	rddreg [dreg:$0x2];
	s20 =	sor.u32 s4, s3  }
0x5: {  	[smem:$0x7FF] =	sst s2;
	s3 =	sshll.u32 s20, $0x6  }
0x6: {  	_ =	strace $0x8000004D;
	s4 =	simm.s32 $0x2;
	s3 =	sadd.s32 s18, s3  }
0x7: {  	[tilespmem:s2], [sflag:$0x2] =	stream.linear.gather [hbm4b:s3+s2], $0x8000, $0x38;
	[tilespmem:$0x8100] =	vst v63  }
0x8: {  	_ =	swait.ge [sflag:s4], $0x8000  }
0x9: {  	s19 =	sadd.s32 $0x2400, s9;
	s7 =	sshrl.u32 s20, $0x3;
	[sflag:s4] =	ssyncset.done $0x0  }
0xa: {  	s6 =	simm.s32 $0x8000;
	s5 =	sadd.s32 s19, s7;
	[sflag:s4] =	ssyncadd.s32 $0xFFFF8000  }
0xb: {  	[tilespmem:s6], [sflag:$0x2] =	stream.linear.gather [hbm4b:s5+s2], $0x40, $0x38;
	[tilespmem:$0x8100] =	vst v63  }
0xc: {  	_ =	swait.ge [sflag:s4], $0x40  }
0xd: {  	s22 =	sadd.s32 $0x2000, s9;
	[sflag:s4] =	ssyncset.done $0x0  }
0xe: {  	s8 =	simm.s32 $0x8080;
	s7 =	sadd.s32 s22, s7;
	[sflag:s4] =	ssyncadd.s32 $0xFFFFFFC0  }
0xf: {  	[tilespmem:s8], [sflag:$0x2] =	stream.linear.gather [hbm4b:s7+s2], $0x40, $0x38;
	[tilespmem:$0x8100] =	vst v63  }
0x10: {  	_ =	swait.ge [sflag:s4], $0x40  }
0x11: {  	s11 =	simm.s32 $0x40;
	[sflag:s4] =	ssyncset.done $0x0  }
0x12: {  	s10 =	simm.s32 $0x1;
	s9 =	sadd.s32 $0x4200, s9;
	[sflag:s4] =	ssyncadd.s32 $0xFFFFFFC0  }
0x13: {  	[hbm4b:s9+s11] =	stream.indirect.scatter [tilespmem:s2], [sflag:$0x1], $0x200, s6, s11, $0xb8;
	[tilespmem:$0x8100] =	vst v63  }
0x14: {  	_ =	swait.ge [sflag:s10], $0x8000  }
0x15: {  	[sflag:s10] =	ssyncset.done $0x0  }
0x16: {  	[sflag:s10] =	ssyncadd.s32 $0xFFFF8000  }
0x17: {  	[hbm4b:s9+s11] =	stream.indirect.scatter [tilespmem:s2], [sflag:$0x1], $0x200, s8, s11, $0xb8;
	[tilespmem:$0x8100] =	vst v63  }
0x18: {  	s13 =	sor.u32 $0x40, s20;
	_ =	swait.ge [sflag:s10], $0x8000  }
0x19: {  	s12 =	sshll.u32 s13, $0x6;
	[sflag:s10] =	ssyncset.done $0x0  }
0x1a: {  	s12 =	sadd.s32 s18, s12;
	[sflag:s10] =	ssyncadd.s32 $0xFFFF8000  }
0x1b: {  	[tilespmem:s2], [sflag:$0x2] =	stream.linear.gather [hbm4b:s12+s2], $0x8000, $0x38;
	[tilespmem:$0x8100] =	vst v63  }
0x1c: {  	_ =	swait.ge [sflag:s4], $0x8000  }
0x1d: {  	s14 =	sshrl.u32 s13, $0x3;
	[sflag:s4] =	ssyncset.done $0x0  }
0x1e: {  	s13 =	sadd.s32 s19, s14;
	[sflag:s4] =	ssyncadd.s32 $0xFFFF8000  }
0x1f: {  	[tilespmem:s6], [sflag:$0x2] =	stream.linear.gather [hbm4b:s13+s2], $0x40, $0x38;
	[tilespmem:$0x8100] =	vst v63  }
0x20: {  	_ =	swait.ge [sflag:s4], $0x40  }
0x21: {  	[sflag:s4] =	ssyncset.done $0x0  }
0x22: {  	s14 =	sadd.s32 s22, s14;
	[sflag:s4] =	ssyncadd.s32 $0xFFFFFFC0  }
0x23: {  	[tilespmem:s8], [sflag:$0x2] =	stream.linear.gather [hbm4b:s14+s2], $0x40, $0x38;
	[tilespmem:$0x8100] =	vst v63  }
0x24: {  	_ =	swait.ge [sflag:s4], $0x40  }
0x25: {  	[sflag:s4] =	ssyncset.done $0x0  }
0x26: {  	[sflag:s4] =	ssyncadd.s32 $0xFFFFFFC0  }
0x27: {  	[hbm4b:s9+s11] =	stream.indirect.scatter [tilespmem:s2], [sflag:$0x1], $0x200, s6, s11, $0xb8;
	[tilespmem:$0x8100] =	vst v63  }
0x28: {  	_ =	swait.ge [sflag:s10], $0x8000  }
0x29: {  	[sflag:s10] =	ssyncset.done $0x0  }
0x2a: {  	[sflag:s10] =	ssyncadd.s32 $0xFFFF8000  }
0x2b: {  	[hbm4b:s9+s11] =	stream.indirect.scatter [tilespmem:s2], [sflag:$0x1], $0x200, s8, s11, $0xb8;
	[tilespmem:$0x8100] =	vst v63  }
0x2c: {  	s16 =	sor.u32 $0x80, s20;
	_ =	swait.ge [sflag:s10], $0x8000  }
0x2d: {  	s15 =	sshll.u32 s16, $0x6;
	[sflag:s10] =	ssyncset.done $0x0  }
0x2e: {  	s15 =	sadd.s32 s18, s15;
	[sflag:s10] =	ssyncadd.s32 $0xFFFF8000  }
0x2f: {  	[tilespmem:s2], [sflag:$0x2] =	stream.linear.gather [hbm4b:s15+s2], $0x8000, $0x38;
	[tilespmem:$0x8100] =	vst v63  }
0x30: {  	_ =	swait.ge [sflag:s4], $0x8000  }
0x31: {  	s17 =	sshrl.u32 s16, $0x3;
	[sflag:s4] =	ssyncset.done $0x0  }
0x32: {  	s16 =	sadd.s32 s19, s17;
	[sflag:s4] =	ssyncadd.s32 $0xFFFF8000  }
0x33: {  	[tilespmem:s6], [sflag:$0x2] =	stream.linear.gather [hbm4b:s16+s2], $0x40, $0x38;
	[tilespmem:$0x8100] =	vst v63  }
0x34: {  	_ =	swait.ge [sflag:s4], $0x40  }
0x35: {  	[sflag:s4] =	ssyncset.done $0x0  }
0x36: {  	s17 =	sadd.s32 s22, s17;
	[sflag:s4] =	ssyncadd.s32 $0xFFFFFFC0  }
0x37: {  	[tilespmem:s8], [sflag:$0x2] =	stream.linear.gather [hbm4b:s17+s2], $0x40, $0x38;
	[tilespmem:$0x8100] =	vst v63  }
0x38: {  	_ =	swait.ge [sflag:s4], $0x40  }
0x39: {  	[sflag:s4] =	ssyncset.done $0x0  }
0x3a: {  	[sflag:s4] =	ssyncadd.s32 $0xFFFFFFC0  }
0x3b: {  	[hbm4b:s9+s11] =	stream.indirect.scatter [tilespmem:s2], [sflag:$0x1], $0x200, s6, s11, $0xb8;
	[tilespmem:$0x8100] =	vst v63  }
0x3c: {  	_ =	swait.ge [sflag:s10], $0x8000  }
0x3d: {  	[sflag:s10] =	ssyncset.done $0x0  }
0x3e: {  	[sflag:s10] =	ssyncadd.s32 $0xFFFF8000  }
0x3f: {  	[hbm4b:s9+s11] =	stream.indirect.scatter [tilespmem:s2], [sflag:$0x1], $0x200, s8, s11, $0xb8;
	[tilespmem:$0x8100] =	vst v63  }
0x40: {  	s20 =	sor.u32 $0xC0, s20;
	_ =	swait.ge [sflag:s10], $0x8000  }
0x41: {  	s23 =	sshll.u32 s20, $0x6;
	[sflag:s10] =	ssyncset.done $0x0  }
0x42: {  	s18 =	sadd.s32 s18, s23;
	[sflag:s10] =	ssyncadd.s32 $0xFFFF8000  }
0x43: {  	[tilespmem:s2], [sflag:$0x2] =	stream.linear.gather [hbm4b:s18+s2], $0x8000, $0x38;
	[tilespmem:$0x8100] =	vst v63  }
0x44: {  	_ =	swait.ge [sflag:s4], $0x8000  }
0x45: {  	s20 =	sshrl.u32 s20, $0x3;
	[sflag:s4] =	ssyncset.done $0x0  }
0x46: {  	s19 =	sadd.s32 s19, s20;
	[sflag:s4] =	ssyncadd.s32 $0xFFFF8000  }
0x47: {  	[tilespmem:s6], [sflag:$0x2] =	stream.linear.gather [hbm4b:s19+s2], $0x40, $0x38;
	[tilespmem:$0x8100] =	vst v63  }
0x48: {  	_ =	swait.ge [sflag:s4], $0x40  }
0x49: {  	[sflag:s4] =	ssyncset.done $0x0  }
0x4a: {  	s21 =	ssub.s32 $0x2, s21;
	s20 =	sadd.s32 s22, s20;
	[sflag:s4] =	ssyncadd.s32 $0xFFFFFFC0  }
0x4b: {  	[tilespmem:s8], [sflag:$0x2] =	stream.linear.gather [hbm4b:s20+s2], $0x40, $0x38;
	[tilespmem:$0x8100] =	vst v63  }
0x4c: {  	s31 =	sshrl.u32 s21, $0x1;
	_ =	swait.ge [sflag:s4], $0x40  }
0x4d: {  	s21 =	ssub.s32 s21, s31;
	[sflag:s4] =	ssyncset.done $0x0  }
0x4e: {  	s21 =	smax.u32 s21, $0x1;
	[sflag:s4] =	ssyncadd.s32 $0xFFFFFFC0  }
0x4f: {  	[hbm4b:s9+s11] =	stream.indirect.scatter [tilespmem:s2], [sflag:$0x1], $0x200, s6, s11, $0xb8;
	[tilespmem:$0x8100] =	vst v63  }
0x50: {  	p0 =	sne.s32 s21, $0x1;
	_ =	swait.ge [sflag:s10], $0x8000  }
.Ltmp0:
0x51: {  	[sflag:s10] =	ssyncset.done $0x0;
	(pc) =	sbr.rel @!p0 .LBB2_2-.Ltmp0, $4  }
0x52: {  	[sflag:s10] =	ssyncadd.s32 $0xFFFF8000  }
0x53: {  	[hbm4b:s9+s11] =	stream.indirect.scatter [tilespmem:s2], [sflag:$0x1], $0x200, s8, s11, $0xb8;
	[tilespmem:$0x8100] =	vst v63  }
0x54: {  	_ =	swait.ge [sflag:s10], $0x8000  }
0x55: {  	s21 =	sadd.s32 $0xFFFFFFFF, s21;
	[sflag:s10] =	ssyncset.done $0x0  }
.LBB2_1:
0x56: {  	p0 =	sne.s32 s21, $0x1;
	s21 =	sadd.s32 $0xFFFFFFFF, s21;
	[sflag:s10] =	ssyncadd.s32 $0xFFFF8000  }
0x57: {  	[tilespmem:s2], [sflag:$0x2] =	stream.linear.gather [hbm4b:s3+s2], $0x8000, $0x38;
	[tilespmem:$0x8100] =	vst v63  }
0x58: {  	_ =	swait.ge [sflag:s4], $0x8000  }
0x59: {  	[sflag:s4] =	ssyncset.done $0x0  }
0x5a: {  	[sflag:s4] =	ssyncadd.s32 $0xFFFF8000  }
0x5b: {  	[tilespmem:s6], [sflag:$0x2] =	stream.linear.gather [hbm4b:s5+s2], $0x40, $0x38;
	[tilespmem:$0x8100] =	vst v63  }
0x5c: {  	_ =	swait.ge [sflag:s4], $0x40  }
0x5d: {  	[sflag:s4] =	ssyncset.done $0x0  }
0x5e: {  	[sflag:s4] =	ssyncadd.s32 $0xFFFFFFC0  }
0x5f: {  	[tilespmem:s8], [sflag:$0x2] =	stream.linear.gather [hbm4b:s7+s2], $0x40, $0x38;
	[tilespmem:$0x8100] =	vst v63  }
0x60: {  	_ =	swait.ge [sflag:s4], $0x40  }
0x61: {  	[sflag:s4] =	ssyncset.done $0x0  }
0x62: {  	[sflag:s4] =	ssyncadd.s32 $0xFFFFFFC0  }
0x63: {  	[hbm4b:s9+s11] =	stream.indirect.scatter [tilespmem:s2], [sflag:$0x1], $0x200, s6, s11, $0xb8;
	[tilespmem:$0x8100] =	vst v63  }
0x64: {  	_ =	swait.ge [sflag:s10], $0x8000  }
0x65: {  	[sflag:s10] =	ssyncset.done $0x0  }
0x66: {  	[sflag:s10] =	ssyncadd.s32 $0xFFFF8000  }
0x67: {  	[hbm4b:s9+s11] =	stream.indirect.scatter [tilespmem:s2], [sflag:$0x1], $0x200, s8, s11, $0xb8;
	[tilespmem:$0x8100] =	vst v63  }
0x68: {  	_ =	swait.ge [sflag:s10], $0x8000  }
0x69: {  	[sflag:s10] =	ssyncset.done $0x0  }
0x6a: {  	[sflag:s10] =	ssyncadd.s32 $0xFFFF8000  }
0x6b: {  	[tilespmem:s2], [sflag:$0x2] =	stream.linear.gather [hbm4b:s12+s2], $0x8000, $0x38;
	[tilespmem:$0x8100] =	vst v63  }
0x6c: {  	_ =	swait.ge [sflag:s4], $0x8000  }
0x6d: {  	[sflag:s4] =	ssyncset.done $0x0  }
0x6e: {  	[sflag:s4] =	ssyncadd.s32 $0xFFFF8000  }
0x6f: {  	[tilespmem:s6], [sflag:$0x2] =	stream.linear.gather [hbm4b:s13+s2], $0x40, $0x38;
	[tilespmem:$0x8100] =	vst v63  }
0x70: {  	_ =	swait.ge [sflag:s4], $0x40  }
0x71: {  	[sflag:s4] =	ssyncset.done $0x0  }
0x72: {  	[sflag:s4] =	ssyncadd.s32 $0xFFFFFFC0  }
0x73: {  	[tilespmem:s8], [sflag:$0x2] =	stream.linear.gather [hbm4b:s14+s2], $0x40, $0x38;
	[tilespmem:$0x8100] =	vst v63  }
0x74: {  	_ =	swait.ge [sflag:s4], $0x40  }
0x75: {  	[sflag:s4] =	ssyncset.done $0x0  }
0x76: {  	[sflag:s4] =	ssyncadd.s32 $0xFFFFFFC0  }
0x77: {  	[hbm4b:s9+s11] =	stream.indirect.scatter [tilespmem:s2], [sflag:$0x1], $0x200, s6, s11, $0xb8;
	[tilespmem:$0x8100] =	vst v63  }
0x78: {  	_ =	swait.ge [sflag:s10], $0x8000  }
0x79: {  	[sflag:s10] =	ssyncset.done $0x0  }
0x7a: {  	[sflag:s10] =	ssyncadd.s32 $0xFFFF8000  }
0x7b: {  	[hbm4b:s9+s11] =	stream.indirect.scatter [tilespmem:s2], [sflag:$0x1], $0x200, s8, s11, $0xb8;
	[tilespmem:$0x8100] =	vst v63  }
0x7c: {  	_ =	swait.ge [sflag:s10], $0x8000  }
0x7d: {  	[sflag:s10] =	ssyncset.done $0x0  }
0x7e: {  	[sflag:s10] =	ssyncadd.s32 $0xFFFF8000  }
0x7f: {  	[tilespmem:s2], [sflag:$0x2] =	stream.linear.gather [hbm4b:s15+s2], $0x8000, $0x38;
	[tilespmem:$0x8100] =	vst v63  }
0x80: {  	_ =	swait.ge [sflag:s4], $0x8000  }
0x81: {  	[sflag:s4] =	ssyncset.done $0x0  }
0x82: {  	[sflag:s4] =	ssyncadd.s32 $0xFFFF8000  }
0x83: {  	[tilespmem:s6], [sflag:$0x2] =	stream.linear.gather [hbm4b:s16+s2], $0x40, $0x38;
	[tilespmem:$0x8100] =	vst v63  }
0x84: {  	_ =	swait.ge [sflag:s4], $0x40  }
0x85: {  	[sflag:s4] =	ssyncset.done $0x0  }
0x86: {  	[sflag:s4] =	ssyncadd.s32 $0xFFFFFFC0  }
0x87: {  	[tilespmem:s8], [sflag:$0x2] =	stream.linear.gather [hbm4b:s17+s2], $0x40, $0x38;
	[tilespmem:$0x8100] =	vst v63  }
0x88: {  	_ =	swait.ge [sflag:s4], $0x40  }
0x89: {  	[sflag:s4] =	ssyncset.done $0x0  }
0x8a: {  	[sflag:s4] =	ssyncadd.s32 $0xFFFFFFC0  }
0x8b: {  	[hbm4b:s9+s11] =	stream.indirect.scatter [tilespmem:s2], [sflag:$0x1], $0x200, s6, s11, $0xb8;
	[tilespmem:$0x8100] =	vst v63  }
0x8c: {  	_ =	swait.ge [sflag:s10], $0x8000  }
0x8d: {  	[sflag:s10] =	ssyncset.done $0x0  }
0x8e: {  	[sflag:s10] =	ssyncadd.s32 $0xFFFF8000  }
0x8f: {  	[hbm4b:s9+s11] =	stream.indirect.scatter [tilespmem:s2], [sflag:$0x1], $0x200, s8, s11, $0xb8;
	[tilespmem:$0x8100] =	vst v63  }
0x90: {  	_ =	swait.ge [sflag:s10], $0x8000  }
0x91: {  	[sflag:s10] =	ssyncset.done $0x0  }
0x92: {  	[sflag:s10] =	ssyncadd.s32 $0xFFFF8000  }
0x93: {  	[tilespmem:s2], [sflag:$0x2] =	stream.linear.gather [hbm4b:s18+s2], $0x8000, $0x38;
	[tilespmem:$0x8100] =	vst v63  }
0x94: {  	_ =	swait.ge [sflag:s4], $0x8000  }
0x95: {  	[sflag:s4] =	ssyncset.done $0x0  }
0x96: {  	[sflag:s4] =	ssyncadd.s32 $0xFFFF8000  }
0x97: {  	[tilespmem:s6], [sflag:$0x2] =	stream.linear.gather [hbm4b:s19+s2], $0x40, $0x38;
	[tilespmem:$0x8100] =	vst v63  }
0x98: {  	_ =	swait.ge [sflag:s4], $0x40  }
0x99: {  	[sflag:s4] =	ssyncset.done $0x0  }
0x9a: {  	[sflag:s4] =	ssyncadd.s32 $0xFFFFFFC0  }
0x9b: {  	[tilespmem:s8], [sflag:$0x2] =	stream.linear.gather [hbm4b:s20+s2], $0x40, $0x38;
	[tilespmem:$0x8100] =	vst v63  }
0x9c: {  	_ =	swait.ge [sflag:s4], $0x40  }
0x9d: {  	[sflag:s4] =	ssyncset.done $0x0  }
0x9e: {  	[sflag:s4] =	ssyncadd.s32 $0xFFFFFFC0  }
0x9f: {  	[hbm4b:s9+s11] =	stream.indirect.scatter [tilespmem:s2], [sflag:$0x1], $0x200, s6, s11, $0xb8;
	[tilespmem:$0x8100] =	vst v63  }
0xa0: {  	_ =	swait.ge [sflag:s10], $0x8000  }
.Ltmp1:
0xa1: {  	[sflag:s10] =	ssyncset.done $0x0;
	(pc) =	sbr.rel @p0 .LBB2_1-.Ltmp1, $4  }
0xa2: {  	[sflag:s10] =	ssyncadd.s32 $0xFFFF8000  }
0xa3: {  	[hbm4b:s9+s11] =	stream.indirect.scatter [tilespmem:s2], [sflag:$0x1], $0x200, s8, s11, $0xb8;
	[tilespmem:$0x8100] =	vst v63  }
0xa4: {  	_ =	swait.ge [sflag:s10], $0x8000  }
0xa5: {  	[sflag:s10] =	ssyncset.done $0x0  }
.LBB2_2:
0xa6: {  	[sflag:s10] =	ssyncadd.s32 $0xFFFF8000  }
0xa7: {  	_ =	sfence.sel $0x180000  }
0xa8: {  	[bflag:$0x0] =	sbarrier.arrive $0xFFFF  }
0xa9: {  	p0 =	sne.s32 s0, $0x0;
	_ =	strace $0x9000004D  }
0xaa: {  	s0 =	sadd.s32 @!p0 $0x100000, s1;
	[bflag:$0x2] =	sbarrier.arrive $0xFFFF  }
0xab: {  	[sflag:s0] =	ssyncadd.tile.s32 @!p0 $0x1;
	_ =	shalt  }
.Lfunc_end2:
_tile_overlayer_lowered:
.L_overlay_start_2:
0xac: {  	(tag) =	ssettag $0x2  }
0xad: {  	s0 =	rddreg [dreg:$0x0];
	s2 =	stileid.u32  }
0xae: {  	s1 =	rddreg [dreg:$0x1];
	p0 =	sne.s32 s2, $0x0  }
0xaf: {  	s3 =	rddreg [dreg:$0x2];
	[bflag:$0x3] =	sbarrier.arrive $0xFFFF;
	s2 =	simm.s32 @!p0 $0x1C02  }
0xb0: {  	[timem:s3], [sflag:s2] =	dma.local @!p0 [hbm:s0], s1  }
0xb1: {  	s0 =	simm.s32 @!p0 $0x2  }
0xb2: {  	_ =	swait.ge @!p0 [sflag:s0], s1  }
0xb3: {  	s1 =	ssub.s32 @!p0 $0x0, s1;
	[sflag:s0] =	ssyncset.done @!p0 $0x0  }
0xb4: {  	[sflag:s0] =	ssyncadd.s32 @!p0 s1  }
0xb5: {  	[bflag:$0x3] =	sbarrier.arrive $0xFFFF  }
0xb6: {  	_ =	shalt  }

// kernel: sparse-core-data-format-call.1.cloned.1.call-start
scs
called_computation.1_lowered:
.L_overlay_start_0:
0x0: {  	s1 =	sld [smem:$0x3FD9]  }
0x1: {  	s2 =	sld [smem:$0x3FFE];
	_ =	sdelay $0x1  }
0x2: {  	s3 =	srdreg.scid  }
0x3: {  	s0 =	sand.u32 $0x1, s3  }
0x4: {  	s17 =	sshll.u32 s0, $0xA;
	s1 =	sadd.s32 s2, s1  }
0x5: {  	s1 =	sadd.s32 s1, s17  }
0x6: {  	[smem:$0x3FC1] =	sst s1  }
0x7: {  	_ = 	snop  }
0x8: {  	(tm) =	ssettm $0x1  }
0x9: {  	s18 =	sld [smem:$0x3FFB];
	_ =	sdelay $0x3  }
0xa: {  	_ =	strace s18  }
0xb: {  	s1 =	sld [smem:$0x3FFC];
	_ =	sdelay $0x3  }
0xc: {  	_ =	strace s1  }
0xd: {  	s1 =	sld [smem:$0x3FFD];
	_ =	sdelay $0x3  }
0xe: {  	_ =	strace s1  }
0xf: {  	_ =	strace $0x8FFFFFFF  }
0x10: {  	s19 =	sld [smem:$0x3FDB];
	_ =	sdelay $0x1  }
0x11: {  	s20 =	simm.s32 $_scs_section_size  }
0x12: {  	s4 =	simm.s32 $_size__tile_overlayer_lowered;
	s5 =	simm.s32 $_tile_overlayer_lowered  }
0x13: {  	s23 =	simm.s32 $0x1BFF;
	s22 =	sshll.u32 s5, $0x1;
	s1 =	sadd.s32 s20, s19  }
0x14: {  	s6 =	simm.s32 $0x0;
	s21 =	sshll.u32 s4, $0x1;
	s4 =	sadd.s32 s22, s1  }
0x15: {  	[timem:s6], [sflag:s23] =	dma.local [hbm:s4], s21  }
0x16: {  	_ =	swait.ge [sflag:s23], s21  }
0x17: {  	s2 =	ssub.s32 $0x0, s21;
	[sflag:s23] =	ssyncset.done $0x0  }
0x18: {  	[sflag:s23] =	ssyncadd.s32 s2;
	_ =	sdelay $0x1  }
0x19: {  	s24 =	simm.s32 $0x1B8B  }
0x1a: {  	_ =	swait.ge [sflag:s24], $0x1  }
0x1b: {  	[sflag:s24] =	ssyncset.done $0x0  }
0x1c: {  	s26 =	simm.s32 $0x1B8E;
	s25 =	sld [smem:$0x3FFE];
	[sflag:s24] =	ssyncadd.s32 $0xFFFFFFFF  }
0x1d: {  	s27 =	simm.s32 $execute0_lowered;
	[smem:$0x3FD2] =	sst s26  }
0x1e: {  	s4 =	sshll.u32 s27, $0x1;
	_ =	strace $0x8000004F;
	[dreg:$0x1] =	wrdreg $0xFFFFFFFF  }
0x1f: {  	s28 =	simm.s32 $_size_execute0_lowered;
	s1 =	sadd.s32 s1, s4;
	[dreg:$0x0] =	wrdreg $0x0  }
0x20: {  	s4 =	sshll.u32 s28, $0x1;
	[dreg:$0x2] =	wrdreg s1  }
0x21: {  	[dreg:$0x3] =	wrdreg s4  }
0x22: {  	[dreg:$0x4] =	wrdreg $0xC0  }
0x23: {  	_ =	task [dreg:s6], $0x5FFFF  }
0x24: {  	[dreg:$0x1] =	wrdreg $0xFFFFFFFF  }
0x25: {  	[dreg:$0x0] =	wrdreg $0x60  }
0x26: {  	[dreg:$0x2] =	wrdreg s25  }
0x27: {  	[dreg:$0x3] =	wrdreg $0x9  }
0x28: {  	_ =	task.clear_ibuf [dreg:s6], $0x4FFFF;
	_ =	strace $0x9000004F  }
0x29: {  	s29 =	simm.s32 $0x9;
	_ =	strace $0x80000051  }
0x2a: {  	_ =	swait.ge [sflag:s29], $0x1  }
0x2b: {  	[sflag:s29] =	ssyncadd.s32 $0xFFFFFFFF  }
0x2c: {  	_ =	strace $0x90000051  }
0x2d: {  	_ =	sfence  }
0x2e: {  	s30 =	sld [smem:$0x0];
	_ =	sdelay $0x2  }
0x2f: {  	s31 =	sshll.u32 s3, $0xD;
	s3 =	sshrl.u32 s3, $0x2  }
0x30: {  	s2 =	sand.u32 $0x4000, s31;
	s1 =	sadd.s32 s3, s30  }
0x31: {  	s0 =	sor.u32 s2, s0;
	s1 =	sshll.u32 s1, $0x11  }
0x32: {  	s0 =	sor.u32 s1, s0  }
0x33: {  	s0 =	sadd.s32 $0x8F2B, s0  }
0x34: {  	[sflag:s0] =	ssyncadd.remote.s32 $0x1  }
0x35: {  	_ =	sfence.sel $0xFFFF  }
0x36: {  	[dreg:$0x0] =	wrdreg $0xFFFFFFFF;
	(pc) =	sbr.abs _section_cstart, $3  }
0x37: {  	[dreg:$0x1] =	wrdreg $0xFFFFFFFF  }
0x38: {  	_ =	task.clear_ibuf [dreg:s6], $0x2FFFF;
	_ =	strace $0x9FFFFFFF  }
0x39: {  	(tm) =	ssettm $0x7FFFFFFF  }
tec
execute0_lowered:
.L_overlay_start_1:
0x0: {  	(tag) =	ssettag $0x1  }
0x1: {  	s0 =	srdreg.scid  }
0x2: {  	s4 =	rddreg [dreg:$0x0];
	s9 =	simm.s32 $0x2;
	s1 =	sshll.u32 s0, $0x4  }
0x3: {  	s12 =	simm.s32 $0x0;
	s0 =	stileid.u32;
	s1 =	sand.u32 $0x10, s1  }
0x4: {  	s13 =	simm.s32 $0x0;
	s3 =	sshll.u32 s0, $0x7;
	s1 =	sor.u32 s0, s1  }
0x5: {  	s11 =	simm.s32 $0x0;
	s3 =	sand.u32 $0x380, s3;
	s2 =	sshrl.u32 s1, $0x3  }
0x6: {  	s1 =	rddreg [dreg:$0x1];
	_ =	strace $0x80000050;
	s6 =	ssub.s32 $0x4800, s3  }
0x7: {  	s10 =	smov.u32 s3;
	s5 =	sshll.u32 s2, $0x4;
	s8 =	sand.u32 $0x380, s6  }
.Ltmp0:
0x8: {  	s6 =	sshrl.u32 s6, $0xA;
	s7 =	sadd.s32 s5, s4;
	(pc) =	sbr.rel .LBB1_1-.Ltmp0, $4  }
0x9: {  	s5 =	simm.s32 $0x1;
	p0 =	sne.s32 s8, $0x0;
	s8 =	simm.s32 $0x1  }
0xa: {  	s4 =	sadd.s32 $0x4200, s4;
	[sflag:s5] =	ssyncpa.u1 $0x0;
	s8 =	simm.s32 @!p0 $0x0  }
0xb: {  	s7 =	sadd.s32 $0x124200, s7;
	p0 =	por $0x0, $0x0;
	s6 =	sadd.s32 s8, s6  }
0xc: {  	[sflag:s9] =	ssyncpa.u1 $0x0;
	s9 =	simm.s32 $0x24000;
	s8 =	sadd.s32 $0x1, s6  }
.LBB1_4:
0xd: {  	v5 =	vld [tilespmem:s17+$0xFFFFFFD0];
	[tilespmem:s16+$0x2040 ss:$0x81] =	vst.msk $0xffff, v3;
	s19 =	sshll.u32 s13, $0x3  }
0xe: {  	v58 =	vld [tilespmem:s17+$0xFFFFFFE0];
	[tilespmem:s16+$0x2850 ss:$0x81] =	vst.msk $0xffff, v4;
	s24 =	sand.u32 $0x7F, s13;
	s20 =	sand.u32 $0xFFFFFC00, s19  }
0xf: {  	s18 =	sshra.s32 s18, $0x2;
	v59 =	vld [tilespmem:s17+$0xFFFFFFF0];
	[tilespmem:s16+$0x3060 ss:$0x81] =	vst.msk $0xffff, v2;
	s13 =	sor.u32 s24, s20  }
0x10: {  	v60 =	vld [tilespmem:s17+$0x0];
	[tilespmem:s16+$0x0 ss:$0x81] =	vst.msk $0xffff, v0;
	s15 =	sadd.s32 s18, s15;
	s25 =	smulhi.u32 $0x38E38E39, s13  }
0x11: {  	v61 =	vld [tilespmem:s17+$0x10];
	s26 =	smulhi.u32 $0x38E38E39, s19;
	[tilespmem:s15+$0x3870 ss:$0x81] =	vst.msk $0xffff, v1  }
0x12: {  	v62 =	vld [tilespmem:s17+$0x20];
	[tilespmem:s15+$0x810 ss:$0x81] =	vst.msk $0xffff, v5;
	s16 =	sshrl.u32 s25, $0xC  }
0x13: {  	v63 =	vld [tilespmem:s17+$0xFFFFFFC0];
	s27 =	sshrl.u32 s26, $0xC;
	[tilespmem:s15+$0x1020 ss:$0x81] =	vst.msk $0xffff, v58;
	s16 =	smul.u32 $0x4800, s16  }
0x14: {  	s12 =	smul.u32 $0x48000, s12;
	s17 =	sand.u32 $0x7F, s27;
	[tilespmem:s15+$0x1830 ss:$0x81] =	vst.msk $0xffff, v59  }
0x15: {  	[tilespmem:s15+$0x2040 ss:$0x81] =	vst.msk $0xffff, v60;
	s28 =	smul.u32 $0x900, s17;
	s13 =	ssub.s32 s13, s16  }
0x16: {  	s12 =	sadd.s32 s4, s12;
	[tilespmem:s15+$0x2850 ss:$0x81] =	vst.msk $0xffff, v61;
	s29 =	sand.u32 $0x7, s13  }
0x17: {  	[tilespmem:s15+$0x3060 ss:$0x81] =	vst.msk $0xffff, v62;
	s12 =	sadd.s32 s28, s12;
	s13 =	sshrl.u32 s13, $0x3;
	s30 =	sshll.u32 s29, $0x12  }
0x18: {  	[tilespmem:s15+$0x0 ss:$0x81] =	vst.msk $0xffff, v63;
	s12 =	sadd.s32 s13, s12;
	s31 =	sor.u32 $0x400, s30  }
0x19: {  	[hbm4b:s12+s31] =	stream.strided.scatter [tilespmem:s14], [sflag:$0x2], $0x4000, s9, s31, $0x20;
	[tilespmem:$0x10100] =	vst v63  }
.LBB1_5:
0x1a: {  	s14 =	sadd.s32 $0x400, s10  }
0x1b: {  	p2 =	sgt.s32 s14, $0x47FF  }
0x1c: {  	s14 =	smov.u32 @p2 s3;
	p2 =	sne.s32 s11, s8  }
.Ltmp1:
0x1d: {  	p1 =	slt.u32 s11, $0x2;
	(pc) =	sbr.rel @!p2 .LBB1_6-.Ltmp1, $4  }
0x1e: {  	s12 =	simm.s32 @!p1 $0x2  }
0x1f: {  	s15 =	sadd.s32 $0x1, s11;
	s13 =	smov.u32 s10;
	_ =	swait.ge @!p1 [sflag:s12], $0x4000  }
0x20: {  	p0 =	por !p0, !p0;
	s11 =	smov.u32 s15;
	[sflag:s12] =	ssyncset.done @!p1 $0x0  }
0x21: {  	s10 =	smov.u32 s14;
	[sflag:s12] =	ssyncadd.s32 @!p1 $0xFFFFC000;
	s12 =	smov.u32 s2  }
.LBB1_1:
0x22: {  	p1 =	sge.u32 s11, s6  }
0x23: {  	s31 =	sadd.s32 $0xFFFFFFFF, s11;
	s14 =	sxor.u32 @!p1 $0xFFFFFFFF, s11  }
0x24: {  	s15 =	sshll.u32 @!p1 s10, $0x6;
	s16 =	simm.s32 @!p1 $0x80;
	s14 =	sshll.u32 @!p1 s14, $0xE  }
0x25: {  	s17 =	simm.s32 @!p1 $0x200;
	s15 =	sadd.s32 @!p1 s15, s7;
	s14 =	sand.u32 @!p1 $0x4000, s14  }
0x26: {  	[tilespmem:s14], [sflag:$0x1] =	stream.strided.gather @!p1 [hbm4b:s15+s16], $0x4000, s17, s16, $0x38;
	[tilespmem:$0x10100] =	vst v63  }
0x27: {  	p1 =	sge.u32 s31, s6  }
.Ltmp2:
0x28: {  	_ = 	snop;
	(pc) =	sbr.rel @p1 .LBB1_5-.Ltmp2, $1  }
0x29: {  	_ =	sdelay $0x3  }
0x2a: {  	s14 =	simm.s32 $0x1  }
0x2b: {  	_ =	swait.ge [sflag:s5], $0x4000;
	s14 =	simm.s32 @!p0 $0x0  }
0x2c: {  	[sflag:s5] =	ssyncset.done $0x0;
	s15 =	sshll.u32 s14, $0xE  }
0x2d: {  	[sflag:s5] =	ssyncadd.s32 $0xFFFFC000;
	s17 =	sor.u32 $0x40, s15  }
0x2e: {  	s14 =	smul.u32 $0x10200, s14;
	v0 =	vld [tilespmem:s17+$0x30]  }
0x2f: {  	v1 =	vld [tilespmem:s17+$0xFFFFFFD0]  }
0x30: {  	s14 =	sshrl.u32 s14, $0x2;
	v5 =	vld [tilespmem:s17+$0xFFFFFFE0]  }
0x31: {  	v6 =	vld [tilespmem:s17+$0xFFFFFFF0];
	s15 =	sor.u32 $0x8000, s14  }
0x32: {  	s31 =	sand.u32 $0x1, s11;
	v3 =	vld [tilespmem:s17+$0x0];
	s16 =	sadd.s32 $0x0, s15  }
0x33: {  	v4 =	vld [tilespmem:s17+$0x10];
	s14 =	smul.u32 $0x10200, s31;
	[tilespmem:s16+$0x3870 ss:$0x81] =	vst.msk $0xffff, v0  }
0x34: {  	v2 =	vld [tilespmem:s17+$0x20];
	[tilespmem:s16+$0x810 ss:$0x81] =	vst.msk $0xffff, v1  }
0x35: {  	s14 =	sshrl.u32 s14, $0x2;
	v0 =	vld [tilespmem:s17+$0xFFFFFFC0];
	[tilespmem:s16+$0x1020 ss:$0x81] =	vst.msk $0xffff, v5;
	s17 =	sadd.s32 $0x80, s17  }
0x36: {  	s18 =	simm.s32 $0x4;
	s19 =	simm.s32 $0x8;
	s14 =	sor.u32 $0x8000, s14;
	[tilespmem:s16+$0x1830 ss:$0x81] =	vst.msk $0xffff, v6;
	v1 =	vld [tilespmem:s17+$0x30]  }
.LBB1_3:
0x37: {  	p1 =	sne.s32 s19, $0x1FC;
	v5 =	vld [tilespmem:s17+$0xFFFFFFD0];
	[tilespmem:s16+$0x2040 ss:$0x81] =	vst.msk $0xffff, v3  }
0x38: {  	v6 =	vld [tilespmem:s17+$0xFFFFFFE0];
	[tilespmem:s16+$0x2850 ss:$0x81] =	vst.msk $0xffff, v4  }
0x39: {  	s20 =	sshra.s32 s18, $0x2;
	s18 =	smov.u32 s19;
	v7 =	vld [tilespmem:s17+$0xFFFFFFF0];
	[tilespmem:s16+$0x3060 ss:$0x81] =	vst.msk $0xffff, v2  }
.Ltmp3:
0x3a: {  	v3 =	vld [tilespmem:s17+$0x0];
	[tilespmem:s16+$0x0 ss:$0x81] =	vst.msk $0xffff, v0;
	s16 =	sadd.s32 s20, s15;
	(pc) =	sbr.rel @p1 .LBB1_3-.Ltmp3, $4  }
0x3b: {  	v4 =	vld [tilespmem:s17+$0x10];
	[tilespmem:s16+$0x3870 ss:$0x81] =	vst.msk $0xffff, v1  }
0x3c: {  	[tilespmem:s16+$0x810 ss:$0x81] =	vst.msk $0xffff, v5;
	v2 =	vld [tilespmem:s17+$0x20]  }
0x3d: {  	v0 =	vld [tilespmem:s17+$0xFFFFFFC0];
	[tilespmem:s16+$0x1020 ss:$0x81] =	vst.msk $0xffff, v6;
	s17 =	sadd.s32 $0x80, s17  }
0x3e: {  	s19 =	sadd.s32 $0x4, s19;
	v1 =	vld [tilespmem:s17+$0x30];
	[tilespmem:s16+$0x1830 ss:$0x81] =	vst.msk $0xffff, v7  }
.Ltmp4:
0x3f: {  	_ = 	snop;
	(pc) =	sbr.rel .LBB1_4-.Ltmp4, $1  }
0x40: {  	_ =	sdelay $0x3  }
.LBB1_6:
0x41: {  	_ =	sfence.sel $0x180000  }
0x42: {  	s2 =	simm.s32 $0x1;
	[bflag:$0x0] =	sbarrier.arrive $0xFFFF  }
0x43: {  	s31 =	simm.s32 $0x2;
	[sflag:s2] =	ssyncpa.u1 $0x1  }
0x44: {  	[sflag:s31] =	ssyncpa.u1 $0x1  }
0x45: {  	p0 =	sne.s32 s0, $0x0;
	_ =	strace $0x90000050  }
0x46: {  	s0 =	sadd.s32 @!p0 $0x100000, s1;
	[bflag:$0x2] =	sbarrier.arrive $0xFFFF  }
0x47: {  	[sflag:s0] =	ssyncadd.tile.s32 @!p0 $0x1;
	_ =	shalt  }
.Lfunc_end1:
_tile_overlayer_lowered:
.L_overlay_start_2:
0x48: {  	(tag) =	ssettag $0x2  }
0x49: {  	s0 =	rddreg [dreg:$0x0];
	s2 =	stileid.u32  }
0x4a: {  	s1 =	rddreg [dreg:$0x1];
	p0 =	sne.s32 s2, $0x0  }
0x4b: {  	s3 =	rddreg [dreg:$0x2];
	[bflag:$0x3] =	sbarrier.arrive $0xFFFF;
	s2 =	simm.s32 @!p0 $0x1C01  }
0x4c: {  	[timem:s3], [sflag:s2] =	dma.local @!p0 [hbm:s0], s1  }
0x4d: {  	s0 =	simm.s32 @!p0 $0x1  }
0x4e: {  	_ =	swait.ge @!p0 [sflag:s0], s1  }
0x4f: {  	s1 =	ssub.s32 @!p0 $0x0, s1;
	[sflag:s0] =	ssyncset.done @!p0 $0x0  }
0x50: {  	[sflag:s0] =	ssyncadd.s32 @!p0 s1  }
0x51: {  	[bflag:$0x3] =	sbarrier.arrive $0xFFFF  }
0x52: {  	_ =	shalt  }

// kernel: sparse-core-data-format-call.2.cloned.1.call-start
scs
called_computation.2_lowered:
.L_overlay_start_0:
0x0: {  	s2 =	sld [smem:$0x3FD9]  }
0x1: {  	s3 =	sld [smem:$0x3FFE];
	_ =	sdelay $0x1  }
0x2: {  	s1 =	srdreg.scid  }
0x3: {  	s0 =	sand.u32 $0x1, s1  }
0x4: {  	s18 =	sshll.u32 s0, $0xA;
	s2 =	sadd.s32 s3, s2  }
0x5: {  	s2 =	sadd.s32 s2, s18  }
0x6: {  	[smem:$0x3FC1] =	sst s2  }
0x7: {  	_ = 	snop  }
0x8: {  	s19 =	sld [smem:$0x3FD0];
	(tm) =	ssettm $0x1  }
0x9: {  	s20 =	sld [smem:$0x3FFB];
	_ =	sdelay $0x3  }
0xa: {  	_ =	strace s20  }
0xb: {  	s2 =	sld [smem:$0x3FFC];
	_ =	sdelay $0x3  }
0xc: {  	_ =	strace s2  }
0xd: {  	s2 =	sld [smem:$0x3FFD];
	_ =	sdelay $0x3  }
0xe: {  	_ =	strace s2  }
0xf: {  	_ =	strace $0x8FFFFFFF  }
0x10: {  	s21 =	sld [smem:$0x3FDB];
	_ =	sdelay $0x1  }
0x11: {  	s4 =	simm.s32 $_scs_section_size  }
0x12: {  	s5 =	simm.s32 $_size__tile_overlayer_lowered;
	s6 =	simm.s32 $_tile_overlayer_lowered  }
0x13: {  	s7 =	simm.s32 $0x1BFF;
	s22 =	sshll.u32 s6, $0x1;
	s4 =	sadd.s32 s4, s21  }
0x14: {  	s23 =	simm.s32 $0x0;
	s5 =	sshll.u32 s5, $0x1;
	s6 =	sadd.s32 s22, s4  }
0x15: {  	[timem:s23], [sflag:s7] =	dma.local [hbm:s6], s5  }
0x16: {  	_ =	swait.ge [sflag:s7], s5  }
0x17: {  	s5 =	ssub.s32 $0x0, s5;
	[sflag:s7] =	ssyncset.done $0x0  }
0x18: {  	[sflag:s7] =	ssyncadd.s32 s5;
	_ =	sdelay $0x1  }
0x19: {  	s24 =	simm.s32 $0x1B8B  }
0x1a: {  	_ =	swait.ge [sflag:s24], $0x1  }
0x1b: {  	[sflag:s24] =	ssyncset.done $0x0  }
0x1c: {  	[sflag:s24] =	ssyncadd.s32 $0xFFFFFFFF  }
0x1d: {  	s5 =	sld [smem:$0x0]  }
0x1e: {  	s6 =	sand.u32 $0xFFFFFFFE, s1  }
0x1f: {  	p0 =	sne.s32 s1, s6  }
0x20: {  	s6 =	sshll.u32 @p0 s6, $0xE  }
0x21: {  	s6 =	sadd.s32 @p0 $0x11B8D, s6;
	s7 =	sshll.u32 @p0 s5, $0x11  }
0x22: {  	s6 =	sor.u32 @p0 s7, s6  }
0x23: {  	[sflag:s6] =	ssyncadd.remote.s32 @p0 $0x1;
	_ =	sdelay $0x1  }
0x24: {  	s6 =	simm.s32 @p0 $0x1B8D  }
0x25: {  	_ =	swait.eq @p0 [sflag:s6], $0x1  }
0x26: {  	[sflag:s6] =	ssyncadd.s32 @p0 $0xFFFFFFFF  }
0x27: {  	s7 =	sshll.u32 @!p0 s1, $0xE  }
0x28: {  	s7 =	sor.u32 @!p0 $0x4000, s7;
	s6 =	simm.s32 @!p0 $0x1B8D  }
0x29: {  	s5 =	sshll.u32 @!p0 s5, $0x11;
	s7 =	sadd.s32 @!p0 $0x11B8D, s7;
	_ =	swait.eq @!p0 [sflag:s6], $0x1  }
0x2a: {  	s5 =	sor.u32 @!p0 s5, s7;
	[sflag:s6] =	ssyncadd.s32 @!p0 $0xFFFFFFFF  }
0x2b: {  	s26 =	simm.s32 $0x1B8E;
	s25 =	sld [smem:$0x3FFE];
	[sflag:s5] =	ssyncadd.remote.s32 @!p0 $0x1  }
0x2c: {  	s27 =	simm.s32 $execute0_lowered;
	[smem:$0x3FD2] =	sst s26  }
0x2d: {  	s6 =	sshll.u32 s27, $0x1;
	_ =	strace $0x80000049;
	[dreg:$0x1] =	wrdreg $0xFFFFFFFF  }
0x2e: {  	s28 =	simm.s32 $_size_execute0_lowered;
	s4 =	sadd.s32 s4, s6;
	[dreg:$0x0] =	wrdreg $0x0  }
0x2f: {  	s6 =	sshll.u32 s28, $0x1;
	[dreg:$0x2] =	wrdreg s4  }
0x30: {  	[dreg:$0x3] =	wrdreg s6  }
0x31: {  	[dreg:$0x4] =	wrdreg $0xC0  }
0x32: {  	_ =	task [dreg:s23], $0x5FFFF  }
0x33: {  	[dreg:$0x1] =	wrdreg $0xFFFFFFFF  }
0x34: {  	[dreg:$0x0] =	wrdreg $0x60  }
0x35: {  	[dreg:$0x2] =	wrdreg s19  }
0x36: {  	[dreg:$0x3] =	wrdreg s25  }
0x37: {  	[dreg:$0x4] =	wrdreg $0x9  }
0x38: {  	_ =	task.clear_ibuf [dreg:s23], $0x5FFFF;
	_ =	strace $0x90000049  }
0x39: {  	s29 =	simm.s32 $0x9;
	_ =	strace $0x8000004B  }
0x3a: {  	_ =	swait.ge [sflag:s29], $0x1  }
0x3b: {  	[sflag:s29] =	ssyncadd.s32 $0xFFFFFFFF  }
0x3c: {  	_ =	strace $0x9000004B  }
0x3d: {  	_ =	sfence  }
0x3e: {  	s30 =	sld [smem:$0x0];
	_ =	sdelay $0x2  }
0x3f: {  	s31 =	sshll.u32 s1, $0xD;
	s1 =	sshrl.u32 s1, $0x2  }
0x40: {  	s4 =	sand.u32 $0x4000, s31;
	s1 =	sadd.s32 s1, s30  }
0x41: {  	s0 =	sor.u32 s4, s0;
	s1 =	sshll.u32 s1, $0x11  }
0x42: {  	s0 =	sor.u32 s1, s0  }
0x43: {  	s0 =	sadd.s32 $0x8F2B, s0  }
0x44: {  	[sflag:s0] =	ssyncadd.remote.s32 $0x1  }
0x45: {  	_ =	sfence.sel $0xFFFF  }
0x46: {  	[dreg:$0x0] =	wrdreg $0xFFFFFFFF;
	(pc) =	sbr.abs _section_cstart, $3  }
0x47: {  	[dreg:$0x1] =	wrdreg $0xFFFFFFFF  }
0x48: {  	_ =	task.clear_ibuf [dreg:s23], $0x2FFFF;
	_ =	strace $0x9FFFFFFF  }
0x49: {  	(tm) =	ssettm $0x7FFFFFFF  }
tec
execute0_lowered:
.L_overlay_start_1:
0x0: {  	(tag) =	ssettag $0x1  }
0x1: {  	s0 =	srdreg.scid  }
0x2: {  	s1 =	sshll.u32 s0, $0x4  }
0x3: {  	s3 =	rddreg [dreg:$0x0];
	s0 =	stileid.u32;
	s1 =	sand.u32 $0x10, s1  }
0x4: {  	s6 =	rddreg [dreg:$0x1];
	s5 =	simm.s32 $0x1;
	s1 =	sor.u32 s0, s1  }
0x5: {  	s31 =	simm.s32 $0x2;
	s13 =	simm.s32 $0x0;
	s2 =	sshll.u32 s1, $0x7  }
0x6: {  	s8 =	simm.s32 $0x10000;
	s12 =	simm.s32 $0x0;
	s4 =	ssub.s32 $0x2000, s2  }
0x7: {  	s9 =	simm.s32 $0x0;
	s11 =	simm.s32 $0x0;
	s30 =	sand.u32 $0xF80, s4  }
.Ltmp0:
0x8: {  	s6 =	sadd.s32 $0x65000, s6;
	p0 =	sne.s32 s30, $0x0;
	(pc) =	sbr.rel .LBB1_1-.Ltmp0, $4  }
0x9: {  	s1 =	rddreg [dreg:$0x2];
	s7 =	sshrl.u32 s4, $0xC;
	s5 =	simm.s32 @!p0 $0x0  }
0xa: {  	_ =	strace $0x8000004A;
	s4 =	simm.s32 $0x1;
	s5 =	sadd.s32 s5, s7  }
0xb: {  	s10 =	smov.u32 s2;
	[sflag:s4] =	ssyncpa.u1 $0x0;
	s5 =	sshll.u32 s5, $0x3  }
0xc: {  	[sflag:s31] =	ssyncpa.u1 $0x0;
	p0 =	por $0x0, $0x0;
	s7 =	sor.u32 $0x1, s5  }
.LBB1_4:
0xd: {  	v5 =	vld [tilespmem:s16+$0xFFFFFFD0]  }
0xe: {  	[tilespmem:s17+$0x2040 ss:$0x81] =	vst.msk $0xffff, v1;
	v58 =	vld [tilespmem:s16+$0xFFFFFFE0]  }
0xf: {  	[tilespmem:s17+$0x2850 ss:$0x81] =	vst.msk $0xffff, v2;
	v59 =	vld [tilespmem:s16+$0xFFFFFFF0]  }
0x10: {  	s18 =	sshra.s32 s18, $0x2;
	[tilespmem:s17+$0x3060 ss:$0x81] =	vst.msk $0xffff, v3;
	v60 =	vld [tilespmem:s16+$0x0]  }
0x11: {  	[tilespmem:s17+$0x0 ss:$0x81] =	vst.msk $0xffff, v0;
	v61 =	vld [tilespmem:s16+$0x10];
	s15 =	sadd.s32 s18, s15  }
0x12: {  	s26 =	sshll.u32 s13, $0xD;
	v62 =	vld [tilespmem:s16+$0x20];
	[tilespmem:s15+$0x3870 ss:$0x81] =	vst.msk $0xffff, v4  }
0x13: {  	s27 =	sand.u32 $0x78, s12;
	s19 =	sshll.u32 s12, $0x3;
	v63 =	vld [tilespmem:s16+$0xFFFFFFC0];
	s29 =	sshll.u32 s13, $0x7;
	[tilespmem:s15+$0x810 ss:$0x81] =	vst.msk $0xffff, v5  }
0x14: {  	s17 =	sand.u32 $0x7F0000, s26;
	s28 =	sand.u32 $0x7FFC00, s19;
	s19 =	sand.u32 $0x1C00, s19;
	[tilespmem:s15+$0x1020 ss:$0x81] =	vst.msk $0xffff, v58  }
0x15: {  	s13 =	sand.u32 $0x380, s29;
	s16 =	sadd.s32 s28, s17;
	s30 =	sor.u32 s27, s19;
	[tilespmem:s15+$0x1830 ss:$0x81] =	vst.msk $0xffff, v59  }
0x16: {  	s16 =	sand.u32 $0x7FE000, s16;
	s13 =	sor.u32 s13, s30;
	[tilespmem:s15+$0x2040 ss:$0x81] =	vst.msk $0xffff, v60  }
0x17: {  	s31 =	sand.u32 $0x7, s12;
	s13 =	sor.u32 s16, s13;
	[tilespmem:s15+$0x2850 ss:$0x81] =	vst.msk $0xffff, v61  }
0x18: {  	s12 =	sshll.u32 s31, $0x12;
	[tilespmem:s15+$0x3060 ss:$0x81] =	vst.msk $0xffff, v62;
	s13 =	sshrl.u32 s13, $0x3  }
0x19: {  	s12 =	sor.u32 $0x400, s12;
	[tilespmem:s15+$0x0 ss:$0x81] =	vst.msk $0xffff, v63;
	s13 =	sadd.s32 s6, s13  }
0x1a: {  	[hbm4b:s13+s12] =	stream.strided.scatter [tilespmem:s14], [sflag:$0x2], $0x4000, s8, s12, $0x20;
	[tilespmem:$0x10100] =	vst v63  }
.LBB1_5:
0x1b: {  	s14 =	sadd.s32 $0x80, s9  }
0x1c: {  	s12 =	sadd.s32 $0x1000, s10;
	s16 =	smov.u32 s10;
	p2 =	sgt.s32 s14, $0x3FF  }
0x1d: {  	s16 =	smov.u32 @p2 s12  }
0x1e: {  	s14 =	simm.s32 @p2 $0x0;
	p2 =	sgt.s32 s16, $0x1FFF  }
0x1f: {  	s16 =	smov.u32 @p2 s2;
	p2 =	sne.s32 s11, s7  }
.Ltmp1:
0x20: {  	p1 =	slt.u32 s11, $0x2;
	(pc) =	sbr.rel @!p2 .LBB1_6-.Ltmp1, $4  }
0x21: {  	s15 =	simm.s32 @!p1 $0x2  }
0x22: {  	s13 =	smov.u32 s9;
	p0 =	por !p0, !p0;
	_ =	swait.ge @!p1 [sflag:s15], $0x4000  }
0x23: {  	s12 =	smov.u32 s10;
	[sflag:s15] =	ssyncset.done @!p1 $0x0;
	s9 =	smov.u32 s14  }
0x24: {  	s11 =	sadd.s32 $0x1, s11;
	[sflag:s15] =	ssyncadd.s32 @!p1 $0xFFFFC000;
	s10 =	smov.u32 s16  }
.LBB1_1:
0x25: {  	p1 =	sge.u32 s11, s5  }
0x26: {  	s31 =	sadd.s32 $0xFFFFFFFF, s11;
	s14 =	sshll.u32 @!p1 s10, $0xA  }
0x27: {  	s15 =	sshll.u32 @!p1 s9, $0x3;
	s16 =	sshll.u32 @!p1 s10, $0x7;
	s14 =	sand.u32 @!p1 $0x7FE000, s14  }
0x28: {  	s17 =	sand.u32 @!p1 $0x78, s9;
	s14 =	sadd.s32 @!p1 s14, s15;
	s15 =	sand.u32 @!p1 $0x380, s16  }
0x29: {  	s16 =	sxor.u32 @!p1 $0xFFFFFFFF, s11;
	s14 =	sand.u32 @!p1 $0x7FFC00, s14;
	s15 =	sor.u32 @!p1 s15, s17  }
0x2a: {  	s16 =	sshll.u32 @!p1 s16, $0xE;
	s14 =	sor.u32 @!p1 s14, s15;
	s15 =	sand.u32 @!p1 $0x7, s9  }
0x2b: {  	s17 =	simm.s32 @!p1 $0x2000;
	s14 =	sshrl.u32 @!p1 s14, $0x3;
	s15 =	sshll.u32 @!p1 s15, $0x12  }
0x2c: {  	s16 =	sand.u32 @!p1 $0x4000, s16;
	s14 =	sadd.s32 @!p1 s3, s14;
	s15 =	sor.u32 @!p1 $0x400, s15  }
0x2d: {  	[tilespmem:s16], [sflag:$0x1] =	stream.strided.gather @!p1 [hbm4b:s14+s15], $0x4000, s17, s15, $0x38;
	[tilespmem:$0x10100] =	vst v63  }
0x2e: {  	p1 =	sge.u32 s31, s5  }
.Ltmp2:
0x2f: {  	_ = 	snop;
	(pc) =	sbr.rel @p1 .LBB1_5-.Ltmp2, $1  }
0x30: {  	_ =	sdelay $0x3  }
0x31: {  	s14 =	simm.s32 $0x1  }
0x32: {  	_ =	swait.ge [sflag:s4], $0x4000;
	s14 =	simm.s32 @!p0 $0x0  }
0x33: {  	[sflag:s4] =	ssyncset.done $0x0;
	s15 =	sshll.u32 s14, $0xE  }
0x34: {  	[sflag:s4] =	ssyncadd.s32 $0xFFFFC000;
	s16 =	sor.u32 $0x40, s15  }
0x35: {  	s14 =	smul.u32 $0x10200, s14;
	v0 =	vld [tilespmem:s16+$0x30]  }
0x36: {  	v3 =	vld [tilespmem:s16+$0xFFFFFFD0]  }
0x37: {  	s14 =	sshrl.u32 s14, $0x2;
	v4 =	vld [tilespmem:s16+$0xFFFFFFE0]  }
0x38: {  	v5 =	vld [tilespmem:s16+$0xFFFFFFF0];
	s15 =	sor.u32 $0x8000, s14  }
0x39: {  	s31 =	sand.u32 $0x1, s11;
	v1 =	vld [tilespmem:s16+$0x0];
	s17 =	sadd.s32 $0x0, s15  }
0x3a: {  	v2 =	vld [tilespmem:s16+$0x10];
	s14 =	smul.u32 $0x10200, s31;
	[tilespmem:s17+$0x3870 ss:$0x81] =	vst.msk $0xffff, v0  }
0x3b: {  	[tilespmem:s17+$0x810 ss:$0x81] =	vst.msk $0xffff, v3;
	v3 =	vld [tilespmem:s16+$0x20]  }
0x3c: {  	s14 =	sshrl.u32 s14, $0x2;
	v0 =	vld [tilespmem:s16+$0xFFFFFFC0];
	[tilespmem:s17+$0x1020 ss:$0x81] =	vst.msk $0xffff, v4;
	s16 =	sadd.s32 $0x80, s16  }
0x3d: {  	s18 =	simm.s32 $0x4;
	s19 =	simm.s32 $0x8;
	s14 =	sor.u32 $0x8000, s14;
	[tilespmem:s17+$0x1830 ss:$0x81] =	vst.msk $0xffff, v5;
	v4 =	vld [tilespmem:s16+$0x30]  }
.LBB1_3:
0x3e: {  	p1 =	sne.s32 s19, $0x1FC;
	v5 =	vld [tilespmem:s16+$0xFFFFFFD0];
	[tilespmem:s17+$0x2040 ss:$0x81] =	vst.msk $0xffff, v1  }
0x3f: {  	v6 =	vld [tilespmem:s16+$0xFFFFFFE0];
	[tilespmem:s17+$0x2850 ss:$0x81] =	vst.msk $0xffff, v2  }
0x40: {  	s20 =	sshra.s32 s18, $0x2;
	s18 =	smov.u32 s19;
	v7 =	vld [tilespmem:s16+$0xFFFFFFF0];
	[tilespmem:s17+$0x3060 ss:$0x81] =	vst.msk $0xffff, v3  }
.Ltmp3:
0x41: {  	v1 =	vld [tilespmem:s16+$0x0];
	[tilespmem:s17+$0x0 ss:$0x81] =	vst.msk $0xffff, v0;
	s17 =	sadd.s32 s20, s15;
	(pc) =	sbr.rel @p1 .LBB1_3-.Ltmp3, $4  }
0x42: {  	v2 =	vld [tilespmem:s16+$0x10];
	[tilespmem:s17+$0x3870 ss:$0x81] =	vst.msk $0xffff, v4  }
0x43: {  	[tilespmem:s17+$0x810 ss:$0x81] =	vst.msk $0xffff, v5;
	v3 =	vld [tilespmem:s16+$0x20]  }
0x44: {  	v0 =	vld [tilespmem:s16+$0xFFFFFFC0];
	[tilespmem:s17+$0x1020 ss:$0x81] =	vst.msk $0xffff, v6;
	s16 =	sadd.s32 $0x80, s16  }
0x45: {  	s19 =	sadd.s32 $0x4, s19;
	v4 =	vld [tilespmem:s16+$0x30];
	[tilespmem:s17+$0x1830 ss:$0x81] =	vst.msk $0xffff, v7  }
.Ltmp4:
0x46: {  	_ = 	snop;
	(pc) =	sbr.rel .LBB1_4-.Ltmp4, $1  }
0x47: {  	_ =	sdelay $0x3  }
.LBB1_6:
0x48: {  	_ =	sfence.sel $0x180000  }
0x49: {  	s2 =	simm.s32 $0x1;
	[bflag:$0x0] =	sbarrier.arrive $0xFFFF  }
0x4a: {  	s31 =	simm.s32 $0x2;
	[sflag:s2] =	ssyncpa.u1 $0x1  }
0x4b: {  	[sflag:s31] =	ssyncpa.u1 $0x1  }
0x4c: {  	p0 =	sne.s32 s0, $0x0;
	_ =	strace $0x9000004A  }
0x4d: {  	s0 =	sadd.s32 @!p0 $0x100000, s1;
	[bflag:$0x2] =	sbarrier.arrive $0xFFFF  }
0x4e: {  	[sflag:s0] =	ssyncadd.tile.s32 @!p0 $0x1;
	_ =	shalt  }
.Lfunc_end1:
_tile_overlayer_lowered:
.L_overlay_start_2:
0x4f: {  	(tag) =	ssettag $0x2  }
0x50: {  	s0 =	rddreg [dreg:$0x0];
	s2 =	stileid.u32  }
0x51: {  	s1 =	rddreg [dreg:$0x1];
	p0 =	sne.s32 s2, $0x0  }
0x52: {  	s3 =	rddreg [dreg:$0x2];
	[bflag:$0x3] =	sbarrier.arrive $0xFFFF;
	s2 =	simm.s32 @!p0 $0x1C01  }
0x53: {  	[timem:s3], [sflag:s2] =	dma.local @!p0 [hbm:s0], s1  }
0x54: {  	s0 =	simm.s32 @!p0 $0x1  }
0x55: {  	_ =	swait.ge @!p0 [sflag:s0], s1  }
0x56: {  	s1 =	ssub.s32 @!p0 $0x0, s1;
	[sflag:s0] =	ssyncset.done @!p0 $0x0  }
0x57: {  	[sflag:s0] =	ssyncadd.s32 @!p0 s1  }
0x58: {  	[bflag:$0x3] =	sbarrier.arrive $0xFFFF  }
0x59: {  	_ =	shalt  }

// kernel: sparse-core-data-format-call.cloned.1.call-start
scs
called_computation_lowered:
.L_overlay_start_0:
0x0: {  	s1 =	sld [smem:$0x3FD9]  }
0x1: {  	s2 =	sld [smem:$0x3FFE];
	_ =	sdelay $0x1  }
0x2: {  	s3 =	srdreg.scid  }
0x3: {  	s0 =	sand.u32 $0x1, s3  }
0x4: {  	s17 =	sshll.u32 s0, $0xA;
	s1 =	sadd.s32 s2, s1  }
0x5: {  	s1 =	sadd.s32 s1, s17  }
0x6: {  	[smem:$0x3FC1] =	sst s1  }
0x7: {  	_ = 	snop  }
0x8: {  	(tm) =	ssettm $0x1  }
0x9: {  	s18 =	sld [smem:$0x3FFB];
	_ =	sdelay $0x3  }
0xa: {  	_ =	strace s18  }
0xb: {  	s1 =	sld [smem:$0x3FFC];
	_ =	sdelay $0x3  }
0xc: {  	_ =	strace s1  }
0xd: {  	s1 =	sld [smem:$0x3FFD];
	_ =	sdelay $0x3  }
0xe: {  	_ =	strace s1  }
0xf: {  	_ =	strace $0x8FFFFFFF  }
0x10: {  	s19 =	sld [smem:$0x3FDB];
	_ =	sdelay $0x1  }
0x11: {  	s20 =	simm.s32 $_scs_section_size  }
0x12: {  	s4 =	simm.s32 $_size__tile_overlayer_lowered;
	s5 =	simm.s32 $_tile_overlayer_lowered  }
0x13: {  	s23 =	simm.s32 $0x1BFF;
	s22 =	sshll.u32 s5, $0x1;
	s1 =	sadd.s32 s20, s19  }
0x14: {  	s6 =	simm.s32 $0x0;
	s21 =	sshll.u32 s4, $0x1;
	s4 =	sadd.s32 s22, s1  }
0x15: {  	[timem:s6], [sflag:s23] =	dma.local [hbm:s4], s21  }
0x16: {  	_ =	swait.ge [sflag:s23], s21  }
0x17: {  	s2 =	ssub.s32 $0x0, s21;
	[sflag:s23] =	ssyncset.done $0x0  }
0x18: {  	[sflag:s23] =	ssyncadd.s32 s2;
	_ =	sdelay $0x1  }
0x19: {  	s24 =	simm.s32 $0x1B8B  }
0x1a: {  	_ =	swait.ge [sflag:s24], $0x1  }
0x1b: {  	[sflag:s24] =	ssyncset.done $0x0  }
0x1c: {  	s26 =	simm.s32 $0x1B8E;
	s25 =	sld [smem:$0x3FFE];
	[sflag:s24] =	ssyncadd.s32 $0xFFFFFFFF  }
0x1d: {  	s27 =	simm.s32 $execute0_lowered;
	[smem:$0x3FD2] =	sst s26  }
0x1e: {  	s4 =	sshll.u32 s27, $0x1;
	_ =	strace $0x80000052;
	[dreg:$0x1] =	wrdreg $0xFFFFFFFF  }
0x1f: {  	s28 =	simm.s32 $_size_execute0_lowered;
	s1 =	sadd.s32 s1, s4;
	[dreg:$0x0] =	wrdreg $0x0  }
0x20: {  	s4 =	sshll.u32 s28, $0x1;
	[dreg:$0x2] =	wrdreg s1  }
0x21: {  	[dreg:$0x3] =	wrdreg s4  }
0x22: {  	[dreg:$0x4] =	wrdreg $0xC0  }
0x23: {  	_ =	task [dreg:s6], $0x5FFFF  }
0x24: {  	[dreg:$0x1] =	wrdreg $0xFFFFFFFF  }
0x25: {  	[dreg:$0x0] =	wrdreg $0x60  }
0x26: {  	[dreg:$0x2] =	wrdreg s25  }
0x27: {  	[dreg:$0x3] =	wrdreg $0x9  }
0x28: {  	_ =	task.clear_ibuf [dreg:s6], $0x4FFFF;
	_ =	strace $0x90000052  }
0x29: {  	s29 =	simm.s32 $0x9;
	_ =	strace $0x80000054  }
0x2a: {  	_ =	swait.ge [sflag:s29], $0x1  }
0x2b: {  	[sflag:s29] =	ssyncadd.s32 $0xFFFFFFFF  }
0x2c: {  	_ =	strace $0x90000054  }
0x2d: {  	_ =	sfence  }
0x2e: {  	s30 =	sld [smem:$0x0];
	_ =	sdelay $0x2  }
0x2f: {  	s31 =	sshll.u32 s3, $0xD;
	s3 =	sshrl.u32 s3, $0x2  }
0x30: {  	s2 =	sand.u32 $0x4000, s31;
	s1 =	sadd.s32 s3, s30  }
0x31: {  	s0 =	sor.u32 s2, s0;
	s1 =	sshll.u32 s1, $0x11  }
0x32: {  	s0 =	sor.u32 s1, s0  }
0x33: {  	s0 =	sadd.s32 $0x8F2B, s0  }
0x34: {  	[sflag:s0] =	ssyncadd.remote.s32 $0x1  }
0x35: {  	_ =	sfence.sel $0xFFFF  }
0x36: {  	[dreg:$0x0] =	wrdreg $0xFFFFFFFF;
	(pc) =	sbr.abs _section_cstart, $3  }
0x37: {  	[dreg:$0x1] =	wrdreg $0xFFFFFFFF  }
0x38: {  	_ =	task.clear_ibuf [dreg:s6], $0x2FFFF;
	_ =	strace $0x9FFFFFFF  }
0x39: {  	(tm) =	ssettm $0x7FFFFFFF  }
tec
execute0_lowered:
.L_overlay_start_1:
0x0: {  	(tag) =	ssettag $0x1  }
0x1: {  	s0 =	stileid.u32;
	s1 =	srdreg.scid  }
0x2: {  	s7 =	rddreg [dreg:$0x0];
	s31 =	simm.s32 $0x2;
	s14 =	simm.s32 $0x0  }
0x3: {  	s13 =	simm.s32 $0x0;
	s12 =	simm.s32 $0x0;
	s2 =	sshll.u32 s0, $0x7  }
0x4: {  	s3 =	sshll.u32 s0, $0x4;
	s1 =	sshll.u32 s1, $0x8;
	s2 =	sand.u32 $0x380, s2  }
0x5: {  	s3 =	sor.u32 s3, s1;
	s1 =	rddreg [dreg:$0x1];
	_ =	strace $0x80000053  }
0x6: {  	s3 =	sand.u32 $0x180, s3;
	s4 =	ssub.s32 $0x400, s2;
	s11 =	smov.u32 s2  }
0x7: {  	s5 =	sand.u32 $0x380, s4;
	s6 =	ssub.s32 $0x4800, s3;
	s9 =	sshrl.u32 s4, $0xA  }
0x8: {  	p0 =	sne.s32 s5, $0x0;
	s5 =	simm.s32 $0x1;
	s8 =	sand.u32 $0x180, s6  }
0x9: {  	s5 =	simm.s32 @!p0 $0x0;
	p0 =	sne.s32 s8, $0x0;
	s8 =	simm.s32 $0x1  }
.Ltmp0:
0xa: {  	s6 =	sshrl.u32 s6, $0x9;
	s8 =	simm.s32 @!p0 $0x0;
	(pc) =	sbr.rel .LBB1_1-.Ltmp0, $4  }
0xb: {  	s4 =	simm.s32 $0x1;
	s5 =	sadd.s32 s5, s9;
	s6 =	sadd.s32 s8, s6  }
0xc: {  	s10 =	smov.u32 s3;
	[sflag:s4] =	ssyncpa.u1 $0x0;
	s5 =	smul.u32 s5, s6  }
0xd: {  	[sflag:s31] =	ssyncpa.u1 $0x0;
	p0 =	por $0x0, $0x0;
	s9 =	simm.s32 $0x2000  }
0xe: {  	s6 =	sadd.s32 $0x364200, s7;
	s7 =	sadd.s32 $0x4200, s7;
	s8 =	sadd.s32 $0x1, s5  }
.LBB1_4:
0xf: {  	v5 =	vld [tilespmem:s18+$0xFFFFFFD0];
	[tilespmem:s17+$0x2040 ss:$0x81] =	vst.msk $0xffff, v4;
	s20 =	sshll.u32 s14, $0xA;
	s21 =	sshll.u32 s13, $0x3  }
0x10: {  	v58 =	vld [tilespmem:s18+$0xFFFFFFE0];
	[tilespmem:s17+$0x2850 ss:$0x81] =	vst.msk $0xffff, v3;
	s20 =	sand.u32 $0xFFFFE000, s20;
	s21 =	sand.u32 $0xFFFFFC00, s21  }
0x11: {  	s19 =	sshra.s32 s19, $0x2;
	v59 =	vld [tilespmem:s18+$0xFFFFFFF0];
	[tilespmem:s17+$0x3060 ss:$0x81] =	vst.msk $0xffff, v2;
	s20 =	sadd.s32 s21, s20  }
0x12: {  	v60 =	vld [tilespmem:s18+$0x0];
	[tilespmem:s17+$0x0 ss:$0x81] =	vst.msk $0xffff, v0;
	s16 =	sadd.s32 s19, s16;
	s26 =	sshrl.u32 s20, $0xA  }
0x13: {  	v61 =	vld [tilespmem:s18+$0x10];
	[tilespmem:s16+$0x3870 ss:$0x81] =	vst.msk $0xffff, v1;
	s27 =	smulhi.u32 $0x38E38F, s26  }
0x14: {  	v62 =	vld [tilespmem:s18+$0x20];
	[tilespmem:s16+$0x810 ss:$0x81] =	vst.msk $0xffff, v5  }
0x15: {  	v63 =	vld [tilespmem:s18+$0xFFFFFFC0];
	s28 =	sshll.u32 s14, $0x7;
	[tilespmem:s16+$0x1020 ss:$0x81] =	vst.msk $0xffff, v58;
	s29 =	sshrl.u32 s27, $0x4  }
0x16: {  	s30 =	sand.u32 $0x78, s13;
	s14 =	sand.u32 $0x380, s28;
	[tilespmem:s16+$0x1830 ss:$0x81] =	vst.msk $0xffff, v59;
	s18 =	smul.u32 $0x4800, s29  }
0x17: {  	s14 =	sor.u32 s30, s14;
	[tilespmem:s16+$0x2040 ss:$0x81] =	vst.msk $0xffff, v60  }
0x18: {  	s31 =	sand.u32 $0x7, s13;
	s14 =	sshrl.u32 s14, $0x3;
	[tilespmem:s16+$0x2850 ss:$0x81] =	vst.msk $0xffff, v61;
	s17 =	ssub.s32 s26, s18  }
0x19: {  	s13 =	sshll.u32 s31, $0x12;
	s14 =	sadd.s32 s7, s14;
	[tilespmem:s16+$0x3060 ss:$0x81] =	vst.msk $0xffff, v62;
	s17 =	sshll.u32 s17, $0x7  }
0x1a: {  	s13 =	sor.u32 $0x400, s13;
	[tilespmem:s16+$0x0 ss:$0x81] =	vst.msk $0xffff, v63;
	s14 =	sadd.s32 s17, s14  }
0x1b: {  	[hbm4b:s14+s13] =	stream.strided.scatter [tilespmem:s15], [sflag:$0x2], $0x4000, s9, s13, $0x20;
	[tilespmem:$0x10100] =	vst v63  }
.LBB1_5:
0x1c: {  	s15 =	sadd.s32 $0x200, s10  }
0x1d: {  	s13 =	sadd.s32 $0x400, s11;
	s17 =	smov.u32 s11;
	p2 =	sgt.s32 s15, $0x47FF  }
0x1e: {  	s17 =	smov.u32 @p2 s13  }
0x1f: {  	s15 =	smov.u32 @p2 s3;
	p2 =	sgt.s32 s17, $0x3FF  }
0x20: {  	s17 =	smov.u32 @p2 s2;
	p2 =	sne.s32 s12, s8  }
.Ltmp1:
0x21: {  	p1 =	slt.u32 s12, $0x2;
	(pc) =	sbr.rel @!p2 .LBB1_6-.Ltmp1, $4  }
0x22: {  	s16 =	simm.s32 @!p1 $0x2  }
0x23: {  	s14 =	smov.u32 s10;
	p0 =	por !p0, !p0;
	_ =	swait.ge @!p1 [sflag:s16], $0x4000  }
0x24: {  	s13 =	smov.u32 s11;
	[sflag:s16] =	ssyncset.done @!p1 $0x0;
	s10 =	smov.u32 s15  }
0x25: {  	s12 =	sadd.s32 $0x1, s12;
	[sflag:s16] =	ssyncadd.s32 @!p1 $0xFFFFC000;
	s11 =	smov.u32 s17  }
.LBB1_1:
0x26: {  	p1 =	sge.u32 s12, s5  }
0x27: {  	s15 =	sshrl.u32 @!p1 s11, $0x3  }
0x28: {  	s16 =	sshll.u32 @!p1 s10, $0x3;
	s17 =	sshll.u32 @!p1 s11, $0x7;
	s15 =	smul.u32 @!p1 $0x24000, s15  }
0x29: {  	s18 =	sand.u32 @!p1 $0x7F, s10;
	s16 =	sand.u32 @!p1 $0xFFFFFC00, s16;
	s17 =	sand.u32 @!p1 $0x380, s17  }
0x2a: {  	s15 =	sadd.s32 @!p1 s15, s16;
	s16 =	sor.u32 @!p1 s18, s17  }
0x2b: {  	s16 =	sor.u32 @!p1 s15, s16  }
0x2c: {  	s17 =	smulhi.u32 @!p1 $0x38E38E39, s16;
	_ =	sdelay $0x1  }
0x2d: {  	s15 =	smulhi.u32 @!p1 $0x38E38E39, s15;
	s17 =	sshrl.u32 @!p1 s17, $0xC  }
0x2e: {  	s17 =	smul.u32 @!p1 $0x4800, s17  }
0x2f: {  	s31 =	sadd.s32 $0xFFFFFFFF, s12;
	s18 =	sxor.u32 @!p1 $0xFFFFFFFF, s12;
	s15 =	sshrl.u32 @!p1 s15, $0xC  }
0x30: {  	s18 =	sshll.u32 @!p1 s18, $0xE;
	s15 =	sand.u32 @!p1 $0x3FF, s15;
	s16 =	ssub.s32 @!p1 s16, s17  }
0x31: {  	s15 =	smul.u32 @!p1 $0x900, s15;
	s17 =	sshrl.u32 @!p1 s16, $0x3;
	s16 =	sand.u32 @!p1 $0x7, s16  }
0x32: {  	s18 =	sand.u32 @!p1 $0x4000, s18;
	s17 =	sadd.s32 @!p1 s6, s17;
	s16 =	sshll.u32 @!p1 s16, $0x12  }
0x33: {  	s15 =	sadd.s32 @!p1 s15, s17;
	s16 =	sor.u32 @!p1 $0x400, s16;
	s17 =	simm.s32 @!p1 $0x24000  }
0x34: {  	[tilespmem:s18], [sflag:$0x1] =	stream.strided.gather @!p1 [hbm4b:s15+s16], $0x4000, s17, s16, $0x38;
	[tilespmem:$0x10100] =	vst v63  }
0x35: {  	p1 =	sge.u32 s31, s5  }
.Ltmp2:
0x36: {  	_ = 	snop;
	(pc) =	sbr.rel @p1 .LBB1_5-.Ltmp2, $1  }
0x37: {  	_ =	sdelay $0x3  }
0x38: {  	s15 =	simm.s32 $0x1  }
0x39: {  	_ =	swait.ge [sflag:s4], $0x4000;
	s15 =	simm.s32 @!p0 $0x0  }
0x3a: {  	[sflag:s4] =	ssyncset.done $0x0;
	s16 =	sshll.u32 s15, $0xE  }
0x3b: {  	[sflag:s4] =	ssyncadd.s32 $0xFFFFC000;
	s18 =	sor.u32 $0x40, s16  }
0x3c: {  	s15 =	smul.u32 $0x10200, s15;
	v0 =	vld [tilespmem:s18+$0x30]  }
0x3d: {  	v1 =	vld [tilespmem:s18+$0xFFFFFFD0]  }
0x3e: {  	s15 =	sshrl.u32 s15, $0x2;
	v5 =	vld [tilespmem:s18+$0xFFFFFFE0]  }
0x3f: {  	v6 =	vld [tilespmem:s18+$0xFFFFFFF0];
	s16 =	sor.u32 $0x8000, s15  }
0x40: {  	s31 =	sand.u32 $0x1, s12;
	v4 =	vld [tilespmem:s18+$0x0];
	s17 =	sadd.s32 $0x0, s16  }
0x41: {  	v3 =	vld [tilespmem:s18+$0x10];
	s15 =	smul.u32 $0x10200, s31;
	[tilespmem:s17+$0x3870 ss:$0x81] =	vst.msk $0xffff, v0  }
0x42: {  	v2 =	vld [tilespmem:s18+$0x20];
	[tilespmem:s17+$0x810 ss:$0x81] =	vst.msk $0xffff, v1  }
0x43: {  	s15 =	sshrl.u32 s15, $0x2;
	v0 =	vld [tilespmem:s18+$0xFFFFFFC0];
	[tilespmem:s17+$0x1020 ss:$0x81] =	vst.msk $0xffff, v5;
	s18 =	sadd.s32 $0x80, s18  }
0x44: {  	s19 =	simm.s32 $0x4;
	s20 =	simm.s32 $0x8;
	s15 =	sor.u32 $0x8000, s15;
	[tilespmem:s17+$0x1830 ss:$0x81] =	vst.msk $0xffff, v6;
	v1 =	vld [tilespmem:s18+$0x30]  }
.LBB1_3:
0x45: {  	p1 =	sne.s32 s20, $0x1FC;
	v5 =	vld [tilespmem:s18+$0xFFFFFFD0];
	[tilespmem:s17+$0x2040 ss:$0x81] =	vst.msk $0xffff, v4  }
0x46: {  	v6 =	vld [tilespmem:s18+$0xFFFFFFE0];
	[tilespmem:s17+$0x2850 ss:$0x81] =	vst.msk $0xffff, v3  }
0x47: {  	s21 =	sshra.s32 s19, $0x2;
	s19 =	smov.u32 s20;
	v7 =	vld [tilespmem:s18+$0xFFFFFFF0];
	[tilespmem:s17+$0x3060 ss:$0x81] =	vst.msk $0xffff, v2  }
.Ltmp3:
0x48: {  	v4 =	vld [tilespmem:s18+$0x0];
	[tilespmem:s17+$0x0 ss:$0x81] =	vst.msk $0xffff, v0;
	s17 =	sadd.s32 s21, s16;
	(pc) =	sbr.rel @p1 .LBB1_3-.Ltmp3, $4  }
0x49: {  	v3 =	vld [tilespmem:s18+$0x10];
	[tilespmem:s17+$0x3870 ss:$0x81] =	vst.msk $0xffff, v1  }
0x4a: {  	[tilespmem:s17+$0x810 ss:$0x81] =	vst.msk $0xffff, v5;
	v2 =	vld [tilespmem:s18+$0x20]  }
0x4b: {  	v0 =	vld [tilespmem:s18+$0xFFFFFFC0];
	[tilespmem:s17+$0x1020 ss:$0x81] =	vst.msk $0xffff, v6;
	s18 =	sadd.s32 $0x80, s18  }
0x4c: {  	s20 =	sadd.s32 $0x4, s20;
	v1 =	vld [tilespmem:s18+$0x30];
	[tilespmem:s17+$0x1830 ss:$0x81] =	vst.msk $0xffff, v7  }
.Ltmp4:
0x4d: {  	_ = 	snop;
	(pc) =	sbr.rel .LBB1_4-.Ltmp4, $1  }
0x4e: {  	_ =	sdelay $0x3  }
.LBB1_6:
0x4f: {  	_ =	sfence.sel $0x180000  }
0x50: {  	s2 =	simm.s32 $0x1;
	[bflag:$0x0] =	sbarrier.arrive $0xFFFF  }
0x51: {  	s31 =	simm.s32 $0x2;
	[sflag:s2] =	ssyncpa.u1 $0x1  }
0x52: {  	[sflag:s31] =	ssyncpa.u1 $0x1  }
0x53: {  	p0 =	sne.s32 s0, $0x0;
	_ =	strace $0x90000053  }
0x54: {  	s0 =	sadd.s32 @!p0 $0x100000, s1;
	[bflag:$0x2] =	sbarrier.arrive $0xFFFF  }
0x55: {  	[sflag:s0] =	ssyncadd.tile.s32 @!p0 $0x1;
	_ =	shalt  }
.Lfunc_end1:
_tile_overlayer_lowered:
.L_overlay_start_2:
0x56: {  	(tag) =	ssettag $0x2  }
0x57: {  	s0 =	rddreg [dreg:$0x0];
	s2 =	stileid.u32  }
0x58: {  	s1 =	rddreg [dreg:$0x1];
	p0 =	sne.s32 s2, $0x0  }
0x59: {  	s3 =	rddreg [dreg:$0x2];
	[bflag:$0x3] =	sbarrier.arrive $0xFFFF;
	s2 =	simm.s32 @!p0 $0x1C01  }
0x5a: {  	[timem:s3], [sflag:s2] =	dma.local @!p0 [hbm:s0], s1  }
0x5b: {  	s0 =	simm.s32 @!p0 $0x1  }
0x5c: {  	_ =	swait.ge @!p0 [sflag:s0], s1  }
0x5d: {  	s1 =	ssub.s32 @!p0 $0x0, s1;
	[sflag:s0] =	ssyncset.done @!p0 $0x0  }
0x5e: {  	[sflag:s0] =	ssyncadd.s32 @!p0 s1  }
0x5f: {  	[bflag:$0x3] =	sbarrier.arrive $0xFFFF  }
0x60: {  	_ =	shalt  }

</sc_bundles>
